<compile_context>
chip_gen: v7x
topology: tpu7x:2x2x1
jax: 0.10.2.dev20260603
libtpu: 0.0.44.dev20260713+nightly
codegen_flags: <defaults>
</compile_context>

<pallas_src>
import jax
import jax.numpy as jnp
from jax import lax
from jax.experimental import pallas as pl
from jax.experimental.pallas import tpu as pltpu
from jax.experimental.pallas import tpu_sc as plsc

N_USERS = 1000000
N_ITEMS = 1000000
EMBED_DIM = 32
BATCH = 16384

NUM_CORES = 2
NUM_SUBCORES = 16
NUM_WORKERS = NUM_CORES * NUM_SUBCORES
B_PER_W = BATCH // NUM_WORKERS
CHUNK = 128
N_CHUNKS = B_PER_W // CHUNK


def _tec_kernel(uid_hbm, iid_hbm, ue_hbm, ie_hbm, ub_hbm, ib_hbm, out_hbm,
                uidx_v, iidx_v, ue_v, ie_v, ub_v, ib_v, out_v, ps_v, sem):
    wid = lax.axis_index("s") * NUM_CORES + lax.axis_index("c")
    base = wid * B_PER_W
    row0 = wid * N_CHUNKS

    pltpu.sync_copy(uid_hbm.at[pl.ds(row0, N_CHUNKS)], uidx_v)
    pltpu.sync_copy(iid_hbm.at[pl.ds(row0, N_CHUNKS)], iidx_v)

    copies = []
    for j in range(N_CHUNKS):
        copies.append(pltpu.async_copy(
            ue_hbm.at[uidx_v.at[j]], ue_v.at[pl.ds(j * CHUNK, CHUNK)], sem))
        copies.append(pltpu.async_copy(
            ie_hbm.at[iidx_v.at[j]], ie_v.at[pl.ds(j * CHUNK, CHUNK)], sem))
        copies.append(pltpu.async_copy(
            ub_hbm.at[uidx_v.at[j]], ub_v.at[pl.ds(j * CHUNK, CHUNK)], sem))
        copies.append(pltpu.async_copy(
            ib_hbm.at[iidx_v.at[j]], ib_v.at[pl.ds(j * CHUNK, CHUNK)], sem))
    for cp in copies:
        cp.wait()

    tidx = lax.iota(jnp.int32, 16) * 17

    def group_body(g, _):
        g16 = g * 16
        for r16 in range(16):
            row = g16 + r16
            u0, u1 = plsc.unpack(ue_v[row], format=plsc.PackFormat.INTERLEAVED)
            i0, i1 = plsc.unpack(ie_v[row], format=plsc.PackFormat.INTERLEAVED)
            a = u0 * i0 + u1 * i1
            ps_v[pl.ds(r16 * 17, 16)] = a
        acc = ub_v[pl.ds(g16, 16)] + ib_v[pl.ds(g16, 16)]
        for j in range(16):
            acc = acc + plsc.load_gather(ps_v, [tidx + j])
        out_v[pl.ds(g16, 16)] = acc
        return 0

    lax.fori_loop(0, B_PER_W // 16, group_body, 0)

    pltpu.sync_copy(out_v, out_hbm.at[pl.ds(base, B_PER_W)])


@jax.jit
def _run(uid2, iid2, user_emb, item_emb, ub1, ib1):
    mesh = plsc.VectorSubcoreMesh(
        core_axis_name="c", subcore_axis_name="s",
        num_cores=NUM_CORES, num_subcores=NUM_SUBCORES)
    return pl.kernel(
        _tec_kernel,
        out_type=jax.ShapeDtypeStruct((BATCH,), jnp.float32),
        mesh=mesh,
        compiler_params=pltpu.CompilerParams(
            needs_layout_passes=False, use_tc_tiling_on_sc=False),
        scratch_types=[
            pltpu.VMEM((N_CHUNKS, CHUNK), jnp.int32),
            pltpu.VMEM((N_CHUNKS, CHUNK), jnp.int32),
            pltpu.VMEM((B_PER_W, EMBED_DIM), jnp.bfloat16),
            pltpu.VMEM((B_PER_W, EMBED_DIM), jnp.bfloat16),
            pltpu.VMEM((B_PER_W,), jnp.float32),
            pltpu.VMEM((B_PER_W,), jnp.float32),
            pltpu.VMEM((B_PER_W,), jnp.float32),
            pltpu.VMEM((16 * 17,), jnp.float32),
            pltpu.SemaphoreType.DMA,
        ],
    )(uid2, iid2, user_emb, item_emb, ub1, ib1)


def kernel(user_ids, item_ids, user_emb, item_emb, user_bias, item_bias):
    uid2 = user_ids.astype(jnp.int32).reshape(BATCH // CHUNK, CHUNK)
    iid2 = item_ids.astype(jnp.int32).reshape(BATCH // CHUNK, CHUNK)
    ub1 = user_bias.reshape(N_USERS)
    ib1 = item_bias.reshape(N_ITEMS)
    return _run(uid2, iid2, user_emb.astype(jnp.bfloat16),
                item_emb.astype(jnp.bfloat16), ub1, ib1)

# --- scband reference (transcript-rebuilt; emitter-appended) ---
"""Pipeline reference for scband-recommender-model-40827959116615 (READ-ONLY COPY).

The authoritative reference and input builder live on the scoring server;
editing this copy changes nothing except your own understanding.
"""

import jax, jax.numpy as jnp
import numpy as np

N_USERS = 1000000
N_ITEMS = 1000000
EMBED_DIM = 32
BATCH = 16384


def setup_inputs(seed: int = 0) -> dict:
    key = jax.random.key(seed)
    k1, k2, k3, k4, k5, k6 = jax.random.split(key, 6)
    user_ids = jax.random.randint(k1, (BATCH,), 0, N_USERS, dtype=jnp.int64 if jax.config.jax_enable_x64 else jnp.int32)
    item_ids = jax.random.randint(k2, (BATCH,), 0, N_ITEMS, dtype=jnp.int64 if jax.config.jax_enable_x64 else jnp.int32)
    user_emb = jax.random.normal(k3, (N_USERS, EMBED_DIM), dtype=jnp.float32) * 0.05
    item_emb = jax.random.normal(k4, (N_ITEMS, EMBED_DIM), dtype=jnp.float32) * 0.05
    user_bias = jax.random.normal(k5, (N_USERS, 1), dtype=jnp.float32) * 0.05
    item_bias = jax.random.normal(k6, (N_ITEMS, 1), dtype=jnp.float32) * 0.05
    return {
        "user_ids": user_ids,
        "item_ids": item_ids,
        "user_emb": user_emb,
        "item_emb": item_emb,
        "user_bias": user_bias,
        "item_bias": item_bias,
    }


def reference(user_ids, item_ids, user_emb, item_emb, user_bias, item_bias):
    # Embedding lookups (gather)
    ue = jnp.take(user_emb, user_ids, axis=0)          # [B, D]
    ie = jnp.take(item_emb, item_ids, axis=0)          # [B, D]
    ub = jnp.take(user_bias, user_ids, axis=0).squeeze(-1)  # [B]
    ib = jnp.take(item_bias, item_ids, axis=0).squeeze(-1)  # [B]
    dot = jnp.sum(ue * ie, axis=1)                     # [B]
    return dot + ub + ib

if __name__ == "__main__":
    import jax
    _d = setup_inputs()
    print(jax.jit(kernel)(*tuple(_d.values())))

</pallas_src>

<mosaic_0001>
#map = affine_map<(d0, d1) -> (0, 0)>
#map1 = affine_map<(d0, d1) -> (0)>
module attributes {stable_mosaic.version = 14 : i64} {
  func.func @_tec_kernel(%arg0: i32, %arg1: i32, %arg2: memref<128x128xi32, #tpu.memory_space<hbm>>, %arg3: memref<128x128xi32, #tpu.memory_space<hbm>>, %arg4: memref<1000000x32xbf16, #tpu.memory_space<hbm>>, %arg5: memref<1000000x32xbf16, #tpu.memory_space<hbm>>, %arg6: memref<1000000xf32, #tpu.memory_space<hbm>>, %arg7: memref<1000000xf32, #tpu.memory_space<hbm>>, %arg8: memref<16384xf32, #tpu.memory_space<hbm>>, %arg9: memref<4x128xi32, #tpu.memory_space<vmem>>, %arg10: memref<4x128xi32, #tpu.memory_space<vmem>>, %arg11: memref<512x32xbf16, #tpu.memory_space<vmem>>, %arg12: memref<512x32xbf16, #tpu.memory_space<vmem>>, %arg13: memref<512xf32, #tpu.memory_space<vmem>>, %arg14: memref<512xf32, #tpu.memory_space<vmem>>, %arg15: memref<512xf32, #tpu.memory_space<vmem>>, %arg16: memref<272xf32, #tpu.memory_space<vmem>>, %arg17: memref<!tpu.dma_semaphore, #tpu.memory_space<semaphore_mem>>) attributes {dimension_semantics = [#tpu.dimension_semantics<core_parallel>, #tpu.dimension_semantics<subcore_parallel>], iteration_bounds = array<i64: 2, 16>, scalar_prefetch = 0 : i64, scratch_operands = 9 : i64, tpu.core_type = #tpu.core_type<sc_vector_subcore>, window_params = [{transform_indices = #map}, {transform_indices = #map}, {transform_indices = #map}, {transform_indices = #map}, {transform_indices = #map1}, {transform_indices = #map1}, {transform_indices = #map1}]} {
    %mul3A = arith.constant 2 : i32
    %mul3A_0 = arith.muli %arg1, %mul3A : i32
    %add3A = arith.addi %mul3A_0, %arg0 : i32
    %mul3A_1 = arith.constant 512 : i32
    %mul3A_2 = arith.muli %add3A, %mul3A_1 : i32
    %mul3A_3 = arith.constant 4 : i32
    %mul3A_4 = arith.muli %add3A, %mul3A_3 : i32
    "tpu.region"() ({
      %run_scoped3A = tpu.sem_alloc : memref<!tpu.dma_semaphore, #tpu.memory_space<semaphore_mem>>
      %dma_start3A_300 = arith.constant 0 : i32
      %dma_start3A_301 = tpu.memref_slice %arg2[%mul3A_4, %dma_start3A_300] : memref<128x128xi32, #tpu.memory_space<hbm>> -> memref<4x128xi32, #tpu.memory_space<hbm>>
      %dma_start3A_302 = arith.constant 0 : i32
      %dma_start3A_303 = tpu.memref_slice %arg2[%mul3A_4, %dma_start3A_302] : memref<128x128xi32, #tpu.memory_space<hbm>> -> memref<4x128xi32, #tpu.memory_space<hbm>>
      tpu.enqueue_dma source(%dma_start3A_303 : memref<4x128xi32, #tpu.memory_space<hbm>>) target(%arg9 : memref<4x128xi32, #tpu.memory_space<vmem>>) target_semaphore(%run_scoped3A : memref<!tpu.dma_semaphore, #tpu.memory_space<semaphore_mem>>)
      %dma_wait3A_304 = arith.constant 0 : i32
      %dma_wait3A_305 = tpu.memref_slice %arg2[%mul3A_4, %dma_wait3A_304] : memref<128x128xi32, #tpu.memory_space<hbm>> -> memref<4x128xi32, #tpu.memory_space<hbm>>
      %dma_wait3A_306 = arith.constant 0 : i32
      %dma_wait3A_307 = tpu.memref_slice %arg2[%mul3A_4, %dma_wait3A_306] : memref<128x128xi32, #tpu.memory_space<hbm>> -> memref<4x128xi32, #tpu.memory_space<hbm>>
      tpu.wait_dma2 semaphore(%run_scoped3A : memref<!tpu.dma_semaphore, #tpu.memory_space<semaphore_mem>>) src(%dma_wait3A_307 : memref<4x128xi32, #tpu.memory_space<hbm>>) dst(%arg9 : memref<4x128xi32, #tpu.memory_space<vmem>>)
      tpu.yield
    }) : () -> ()
    "tpu.region"() ({
      %run_scoped3A = tpu.sem_alloc : memref<!tpu.dma_semaphore, #tpu.memory_space<semaphore_mem>>
      %dma_start3A_300 = arith.constant 0 : i32
      %dma_start3A_301 = tpu.memref_slice %arg3[%mul3A_4, %dma_start3A_300] : memref<128x128xi32, #tpu.memory_space<hbm>> -> memref<4x128xi32, #tpu.memory_space<hbm>>
      %dma_start3A_302 = arith.constant 0 : i32
      %dma_start3A_303 = tpu.memref_slice %arg3[%mul3A_4, %dma_start3A_302] : memref<128x128xi32, #tpu.memory_space<hbm>> -> memref<4x128xi32, #tpu.memory_space<hbm>>
      tpu.enqueue_dma source(%dma_start3A_303 : memref<4x128xi32, #tpu.memory_space<hbm>>) target(%arg10 : memref<4x128xi32, #tpu.memory_space<vmem>>) target_semaphore(%run_scoped3A : memref<!tpu.dma_semaphore, #tpu.memory_space<semaphore_mem>>)
      %dma_wait3A_304 = arith.constant 0 : i32
      %dma_wait3A_305 = tpu.memref_slice %arg3[%mul3A_4, %dma_wait3A_304] : memref<128x128xi32, #tpu.memory_space<hbm>> -> memref<4x128xi32, #tpu.memory_space<hbm>>
      %dma_wait3A_306 = arith.constant 0 : i32
      %dma_wait3A_307 = tpu.memref_slice %arg3[%mul3A_4, %dma_wait3A_306] : memref<128x128xi32, #tpu.memory_space<hbm>> -> memref<4x128xi32, #tpu.memory_space<hbm>>
      tpu.wait_dma2 semaphore(%run_scoped3A : memref<!tpu.dma_semaphore, #tpu.memory_space<semaphore_mem>>) src(%dma_wait3A_307 : memref<4x128xi32, #tpu.memory_space<hbm>>) dst(%arg10 : memref<4x128xi32, #tpu.memory_space<vmem>>)
      tpu.yield
    }) : () -> ()
    %dma_start3A = arith.constant 0 : i32
    %dma_start3A_5 = arith.constant 0 : i32
    %dma_start3A_6 = arith.constant 0 : i32
    %dma_start3A_7 = tpu.memref_slice %arg11[%dma_start3A_5, %dma_start3A_6] : memref<512x32xbf16, #tpu.memory_space<vmem>> -> memref<128x32xbf16, #tpu.memory_space<vmem>>
    %dma_start3A_8 = arith.constant 0 : i32
    %dma_start3A_9 = tpu.memref_slice %arg9[%dma_start3A, %dma_start3A_8] : memref<4x128xi32, #tpu.memory_space<vmem>> -> memref<1x128xi32, #tpu.memory_space<vmem>>
    %dma_start3A_10 = tpu.memref_squeeze %dma_start3A_9 : memref<1x128xi32, #tpu.memory_space<vmem>> -> memref<128xi32, #tpu.memory_space<vmem>>
    %dma_start3A_11 = arith.constant 0 : i32
    %dma_start3A_12 = arith.constant 0 : i32
    %dma_start3A_13 = tpu.memref_slice %arg4[%dma_start3A_11, %dma_start3A_12] : memref<1000000x32xbf16, #tpu.memory_space<hbm>> -> memref<1000000x32xbf16, #tpu.memory_space<hbm>>
    tpu.enqueue_indirect_dma source(%dma_start3A_13 : memref<1000000x32xbf16, #tpu.memory_space<hbm>>) target(%dma_start3A_7 : memref<128x32xbf16, #tpu.memory_space<vmem>>) offsets(%dma_start3A_10 : memref<128xi32, #tpu.memory_space<vmem>>) semaphore(%arg17 : memref<!tpu.dma_semaphore, #tpu.memory_space<semaphore_mem>>)
    %dma_start3A_14 = arith.constant 0 : i32
    %dma_start3A_15 = arith.constant 0 : i32
    %dma_start3A_16 = arith.constant 0 : i32
    %dma_start3A_17 = tpu.memref_slice %arg12[%dma_start3A_15, %dma_start3A_16] : memref<512x32xbf16, #tpu.memory_space<vmem>> -> memref<128x32xbf16, #tpu.memory_space<vmem>>
    %dma_start3A_18 = arith.constant 0 : i32
    %dma_start3A_19 = tpu.memref_slice %arg10[%dma_start3A_14, %dma_start3A_18] : memref<4x128xi32, #tpu.memory_space<vmem>> -> memref<1x128xi32, #tpu.memory_space<vmem>>
    %dma_start3A_20 = tpu.memref_squeeze %dma_start3A_19 : memref<1x128xi32, #tpu.memory_space<vmem>> -> memref<128xi32, #tpu.memory_space<vmem>>
    %dma_start3A_21 = arith.constant 0 : i32
    %dma_start3A_22 = arith.constant 0 : i32
    %dma_start3A_23 = tpu.memref_slice %arg5[%dma_start3A_21, %dma_start3A_22] : memref<1000000x32xbf16, #tpu.memory_space<hbm>> -> memref<1000000x32xbf16, #tpu.memory_space<hbm>>
    tpu.enqueue_indirect_dma source(%dma_start3A_23 : memref<1000000x32xbf16, #tpu.memory_space<hbm>>) target(%dma_start3A_17 : memref<128x32xbf16, #tpu.memory_space<vmem>>) offsets(%dma_start3A_20 : memref<128xi32, #tpu.memory_space<vmem>>) semaphore(%arg17 : memref<!tpu.dma_semaphore, #tpu.memory_space<semaphore_mem>>)
    %dma_start3A_24 = arith.constant 0 : i32
    %dma_start3A_25 = arith.constant 0 : i32
    %dma_start3A_26 = tpu.memref_slice %arg13[%dma_start3A_25] : memref<512xf32, #tpu.memory_space<vmem>> -> memref<128xf32, #tpu.memory_space<vmem>>
    %dma_start3A_27 = arith.constant 0 : i32
    %dma_start3A_28 = tpu.memref_slice %arg9[%dma_start3A_24, %dma_start3A_27] : memref<4x128xi32, #tpu.memory_space<vmem>> -> memref<1x128xi32, #tpu.memory_space<vmem>>
    %dma_start3A_29 = tpu.memref_squeeze %dma_start3A_28 : memref<1x128xi32, #tpu.memory_space<vmem>> -> memref<128xi32, #tpu.memory_space<vmem>>
    %dma_start3A_30 = arith.constant 0 : i32
    %dma_start3A_31 = tpu.memref_slice %arg6[%dma_start3A_30] : memref<1000000xf32, #tpu.memory_space<hbm>> -> memref<1000000xf32, #tpu.memory_space<hbm>>
    tpu.enqueue_indirect_dma source(%dma_start3A_31 : memref<1000000xf32, #tpu.memory_space<hbm>>) target(%dma_start3A_26 : memref<128xf32, #tpu.memory_space<vmem>>) offsets(%dma_start3A_29 : memref<128xi32, #tpu.memory_space<vmem>>) semaphore(%arg17 : memref<!tpu.dma_semaphore, #tpu.memory_space<semaphore_mem>>)
    %dma_start3A_32 = arith.constant 0 : i32
    %dma_start3A_33 = arith.constant 0 : i32
    %dma_start3A_34 = tpu.memref_slice %arg14[%dma_start3A_33] : memref<512xf32, #tpu.memory_space<vmem>> -> memref<128xf32, #tpu.memory_space<vmem>>
    %dma_start3A_35 = arith.constant 0 : i32
    %dma_start3A_36 = tpu.memref_slice %arg10[%dma_start3A_32, %dma_start3A_35] : memref<4x128xi32, #tpu.memory_space<vmem>> -> memref<1x128xi32, #tpu.memory_space<vmem>>
    %dma_start3A_37 = tpu.memref_squeeze %dma_start3A_36 : memref<1x128xi32, #tpu.memory_space<vmem>> -> memref<128xi32, #tpu.memory_space<vmem>>
    %dma_start3A_38 = arith.constant 0 : i32
    %dma_start3A_39 = tpu.memref_slice %arg7[%dma_start3A_38] : memref<1000000xf32, #tpu.memory_space<hbm>> -> memref<1000000xf32, #tpu.memory_space<hbm>>
    tpu.enqueue_indirect_dma source(%dma_start3A_39 : memref<1000000xf32, #tpu.memory_space<hbm>>) target(%dma_start3A_34 : memref<128xf32, #tpu.memory_space<vmem>>) offsets(%dma_start3A_37 : memref<128xi32, #tpu.memory_space<vmem>>) semaphore(%arg17 : memref<!tpu.dma_semaphore, #tpu.memory_space<semaphore_mem>>)
    %dma_start3A_40 = arith.constant 1 : i32
    %dma_start3A_41 = arith.constant 128 : i32
    %dma_start3A_42 = arith.constant 0 : i32
    %dma_start3A_43 = tpu.memref_slice %arg11[%dma_start3A_41, %dma_start3A_42] : memref<512x32xbf16, #tpu.memory_space<vmem>> -> memref<128x32xbf16, #tpu.memory_space<vmem>>
    %dma_start3A_44 = arith.constant 0 : i32
    %dma_start3A_45 = tpu.memref_slice %arg9[%dma_start3A_40, %dma_start3A_44] : memref<4x128xi32, #tpu.memory_space<vmem>> -> memref<1x128xi32, #tpu.memory_space<vmem>>
    %dma_start3A_46 = tpu.memref_squeeze %dma_start3A_45 : memref<1x128xi32, #tpu.memory_space<vmem>> -> memref<128xi32, #tpu.memory_space<vmem>>
    %dma_start3A_47 = arith.constant 0 : i32
    %dma_start3A_48 = arith.constant 0 : i32
    %dma_start3A_49 = tpu.memref_slice %arg4[%dma_start3A_47, %dma_start3A_48] : memref<1000000x32xbf16, #tpu.memory_space<hbm>> -> memref<1000000x32xbf16, #tpu.memory_space<hbm>>
    tpu.enqueue_indirect_dma source(%dma_start3A_49 : memref<1000000x32xbf16, #tpu.memory_space<hbm>>) target(%dma_start3A_43 : memref<128x32xbf16, #tpu.memory_space<vmem>>) offsets(%dma_start3A_46 : memref<128xi32, #tpu.memory_space<vmem>>) semaphore(%arg17 : memref<!tpu.dma_semaphore, #tpu.memory_space<semaphore_mem>>)
    %dma_start3A_50 = arith.constant 1 : i32
    %dma_start3A_51 = arith.constant 128 : i32
    %dma_start3A_52 = arith.constant 0 : i32
    %dma_start3A_53 = tpu.memref_slice %arg12[%dma_start3A_51, %dma_start3A_52] : memref<512x32xbf16, #tpu.memory_space<vmem>> -> memref<128x32xbf16, #tpu.memory_space<vmem>>
    %dma_start3A_54 = arith.constant 0 : i32
    %dma_start3A_55 = tpu.memref_slice %arg10[%dma_start3A_50, %dma_start3A_54] : memref<4x128xi32, #tpu.memory_space<vmem>> -> memref<1x128xi32, #tpu.memory_space<vmem>>
    %dma_start3A_56 = tpu.memref_squeeze %dma_start3A_55 : memref<1x128xi32, #tpu.memory_space<vmem>> -> memref<128xi32, #tpu.memory_space<vmem>>
    %dma_start3A_57 = arith.constant 0 : i32
    %dma_start3A_58 = arith.constant 0 : i32
    %dma_start3A_59 = tpu.memref_slice %arg5[%dma_start3A_57, %dma_start3A_58] : memref<1000000x32xbf16, #tpu.memory_space<hbm>> -> memref<1000000x32xbf16, #tpu.memory_space<hbm>>
    tpu.enqueue_indirect_dma source(%dma_start3A_59 : memref<1000000x32xbf16, #tpu.memory_space<hbm>>) target(%dma_start3A_53 : memref<128x32xbf16, #tpu.memory_space<vmem>>) offsets(%dma_start3A_56 : memref<128xi32, #tpu.memory_space<vmem>>) semaphore(%arg17 : memref<!tpu.dma_semaphore, #tpu.memory_space<semaphore_mem>>)
    %dma_start3A_60 = arith.constant 1 : i32
    %dma_start3A_61 = arith.constant 128 : i32
    %dma_start3A_62 = tpu.memref_slice %arg13[%dma_start3A_61] : memref<512xf32, #tpu.memory_space<vmem>> -> memref<128xf32, #tpu.memory_space<vmem>>
    %dma_start3A_63 = arith.constant 0 : i32
    %dma_start3A_64 = tpu.memref_slice %arg9[%dma_start3A_60, %dma_start3A_63] : memref<4x128xi32, #tpu.memory_space<vmem>> -> memref<1x128xi32, #tpu.memory_space<vmem>>
    %dma_start3A_65 = tpu.memref_squeeze %dma_start3A_64 : memref<1x128xi32, #tpu.memory_space<vmem>> -> memref<128xi32, #tpu.memory_space<vmem>>
    %dma_start3A_66 = arith.constant 0 : i32
    %dma_start3A_67 = tpu.memref_slice %arg6[%dma_start3A_66] : memref<1000000xf32, #tpu.memory_space<hbm>> -> memref<1000000xf32, #tpu.memory_space<hbm>>
    tpu.enqueue_indirect_dma source(%dma_start3A_67 : memref<1000000xf32, #tpu.memory_space<hbm>>) target(%dma_start3A_62 : memref<128xf32, #tpu.memory_space<vmem>>) offsets(%dma_start3A_65 : memref<128xi32, #tpu.memory_space<vmem>>) semaphore(%arg17 : memref<!tpu.dma_semaphore, #tpu.memory_space<semaphore_mem>>)
    %dma_start3A_68 = arith.constant 1 : i32
    %dma_start3A_69 = arith.constant 128 : i32
    %dma_start3A_70 = tpu.memref_slice %arg14[%dma_start3A_69] : memref<512xf32, #tpu.memory_space<vmem>> -> memref<128xf32, #tpu.memory_space<vmem>>
    %dma_start3A_71 = arith.constant 0 : i32
    %dma_start3A_72 = tpu.memref_slice %arg10[%dma_start3A_68, %dma_start3A_71] : memref<4x128xi32, #tpu.memory_space<vmem>> -> memref<1x128xi32, #tpu.memory_space<vmem>>
    %dma_start3A_73 = tpu.memref_squeeze %dma_start3A_72 : memref<1x128xi32, #tpu.memory_space<vmem>> -> memref<128xi32, #tpu.memory_space<vmem>>
    %dma_start3A_74 = arith.constant 0 : i32
    %dma_start3A_75 = tpu.memref_slice %arg7[%dma_start3A_74] : memref<1000000xf32, #tpu.memory_space<hbm>> -> memref<1000000xf32, #tpu.memory_space<hbm>>
    tpu.enqueue_indirect_dma source(%dma_start3A_75 : memref<1000000xf32, #tpu.memory_space<hbm>>) target(%dma_start3A_70 : memref<128xf32, #tpu.memory_space<vmem>>) offsets(%dma_start3A_73 : memref<128xi32, #tpu.memory_space<vmem>>) semaphore(%arg17 : memref<!tpu.dma_semaphore, #tpu.memory_space<semaphore_mem>>)
    %dma_start3A_76 = arith.constant 2 : i32
    %dma_start3A_77 = arith.constant 256 : i32
    %dma_start3A_78 = arith.constant 0 : i32
    %dma_start3A_79 = tpu.memref_slice %arg11[%dma_start3A_77, %dma_start3A_78] : memref<512x32xbf16, #tpu.memory_space<vmem>> -> memref<128x32xbf16, #tpu.memory_space<vmem>>
    %dma_start3A_80 = arith.constant 0 : i32
    %dma_start3A_81 = tpu.memref_slice %arg9[%dma_start3A_76, %dma_start3A_80] : memref<4x128xi32, #tpu.memory_space<vmem>> -> memref<1x128xi32, #tpu.memory_space<vmem>>
    %dma_start3A_82 = tpu.memref_squeeze %dma_start3A_81 : memref<1x128xi32, #tpu.memory_space<vmem>> -> memref<128xi32, #tpu.memory_space<vmem>>
    %dma_start3A_83 = arith.constant 0 : i32
    %dma_start3A_84 = arith.constant 0 : i32
    %dma_start3A_85 = tpu.memref_slice %arg4[%dma_start3A_83, %dma_start3A_84] : memref<1000000x32xbf16, #tpu.memory_space<hbm>> -> memref<1000000x32xbf16, #tpu.memory_space<hbm>>
    tpu.enqueue_indirect_dma source(%dma_start3A_85 : memref<1000000x32xbf16, #tpu.memory_space<hbm>>) target(%dma_start3A_79 : memref<128x32xbf16, #tpu.memory_space<vmem>>) offsets(%dma_start3A_82 : memref<128xi32, #tpu.memory_space<vmem>>) semaphore(%arg17 : memref<!tpu.dma_semaphore, #tpu.memory_space<semaphore_mem>>)
    %dma_start3A_86 = arith.constant 2 : i32
    %dma_start3A_87 = arith.constant 256 : i32
    %dma_start3A_88 = arith.constant 0 : i32
    %dma_start3A_89 = tpu.memref_slice %arg12[%dma_start3A_87, %dma_start3A_88] : memref<512x32xbf16, #tpu.memory_space<vmem>> -> memref<128x32xbf16, #tpu.memory_space<vmem>>
    %dma_start3A_90 = arith.constant 0 : i32
    %dma_start3A_91 = tpu.memref_slice %arg10[%dma_start3A_86, %dma_start3A_90] : memref<4x128xi32, #tpu.memory_space<vmem>> -> memref<1x128xi32, #tpu.memory_space<vmem>>
    %dma_start3A_92 = tpu.memref_squeeze %dma_start3A_91 : memref<1x128xi32, #tpu.memory_space<vmem>> -> memref<128xi32, #tpu.memory_space<vmem>>
    %dma_start3A_93 = arith.constant 0 : i32
    %dma_start3A_94 = arith.constant 0 : i32
    %dma_start3A_95 = tpu.memref_slice %arg5[%dma_start3A_93, %dma_start3A_94] : memref<1000000x32xbf16, #tpu.memory_space<hbm>> -> memref<1000000x32xbf16, #tpu.memory_space<hbm>>
    tpu.enqueue_indirect_dma source(%dma_start3A_95 : memref<1000000x32xbf16, #tpu.memory_space<hbm>>) target(%dma_start3A_89 : memref<128x32xbf16, #tpu.memory_space<vmem>>) offsets(%dma_start3A_92 : memref<128xi32, #tpu.memory_space<vmem>>) semaphore(%arg17 : memref<!tpu.dma_semaphore, #tpu.memory_space<semaphore_mem>>)
    %dma_start3A_96 = arith.constant 2 : i32
    %dma_start3A_97 = arith.constant 256 : i32
    %dma_start3A_98 = tpu.memref_slice %arg13[%dma_start3A_97] : memref<512xf32, #tpu.memory_space<vmem>> -> memref<128xf32, #tpu.memory_space<vmem>>
    %dma_start3A_99 = arith.constant 0 : i32
    %dma_start3A_100 = tpu.memref_slice %arg9[%dma_start3A_96, %dma_start3A_99] : memref<4x128xi32, #tpu.memory_space<vmem>> -> memref<1x128xi32, #tpu.memory_space<vmem>>
    %dma_start3A_101 = tpu.memref_squeeze %dma_start3A_100 : memref<1x128xi32, #tpu.memory_space<vmem>> -> memref<128xi32, #tpu.memory_space<vmem>>
    %dma_start3A_102 = arith.constant 0 : i32
    %dma_start3A_103 = tpu.memref_slice %arg6[%dma_start3A_102] : memref<1000000xf32, #tpu.memory_space<hbm>> -> memref<1000000xf32, #tpu.memory_space<hbm>>
    tpu.enqueue_indirect_dma source(%dma_start3A_103 : memref<1000000xf32, #tpu.memory_space<hbm>>) target(%dma_start3A_98 : memref<128xf32, #tpu.memory_space<vmem>>) offsets(%dma_start3A_101 : memref<128xi32, #tpu.memory_space<vmem>>) semaphore(%arg17 : memref<!tpu.dma_semaphore, #tpu.memory_space<semaphore_mem>>)
    %dma_start3A_104 = arith.constant 2 : i32
    %dma_start3A_105 = arith.constant 256 : i32
    %dma_start3A_106 = tpu.memref_slice %arg14[%dma_start3A_105] : memref<512xf32, #tpu.memory_space<vmem>> -> memref<128xf32, #tpu.memory_space<vmem>>
    %dma_start3A_107 = arith.constant 0 : i32
    %dma_start3A_108 = tpu.memref_slice %arg10[%dma_start3A_104, %dma_start3A_107] : memref<4x128xi32, #tpu.memory_space<vmem>> -> memref<1x128xi32, #tpu.memory_space<vmem>>
    %dma_start3A_109 = tpu.memref_squeeze %dma_start3A_108 : memref<1x128xi32, #tpu.memory_space<vmem>> -> memref<128xi32, #tpu.memory_space<vmem>>
    %dma_start3A_110 = arith.constant 0 : i32
    %dma_start3A_111 = tpu.memref_slice %arg7[%dma_start3A_110] : memref<1000000xf32, #tpu.memory_space<hbm>> -> memref<1000000xf32, #tpu.memory_space<hbm>>
    tpu.enqueue_indirect_dma source(%dma_start3A_111 : memref<1000000xf32, #tpu.memory_space<hbm>>) target(%dma_start3A_106 : memref<128xf32, #tpu.memory_space<vmem>>) offsets(%dma_start3A_109 : memref<128xi32, #tpu.memory_space<vmem>>) semaphore(%arg17 : memref<!tpu.dma_semaphore, #tpu.memory_space<semaphore_mem>>)
    %dma_start3A_112 = arith.constant 3 : i32
    %dma_start3A_113 = arith.constant 384 : i32
    %dma_start3A_114 = arith.constant 0 : i32
    %dma_start3A_115 = tpu.memref_slice %arg11[%dma_start3A_113, %dma_start3A_114] : memref<512x32xbf16, #tpu.memory_space<vmem>> -> memref<128x32xbf16, #tpu.memory_space<vmem>>
    %dma_start3A_116 = arith.constant 0 : i32
    %dma_start3A_117 = tpu.memref_slice %arg9[%dma_start3A_112, %dma_start3A_116] : memref<4x128xi32, #tpu.memory_space<vmem>> -> memref<1x128xi32, #tpu.memory_space<vmem>>
    %dma_start3A_118 = tpu.memref_squeeze %dma_start3A_117 : memref<1x128xi32, #tpu.memory_space<vmem>> -> memref<128xi32, #tpu.memory_space<vmem>>
    %dma_start3A_119 = arith.constant 0 : i32
    %dma_start3A_120 = arith.constant 0 : i32
    %dma_start3A_121 = tpu.memref_slice %arg4[%dma_start3A_119, %dma_start3A_120] : memref<1000000x32xbf16, #tpu.memory_space<hbm>> -> memref<1000000x32xbf16, #tpu.memory_space<hbm>>
    tpu.enqueue_indirect_dma source(%dma_start3A_121 : memref<1000000x32xbf16, #tpu.memory_space<hbm>>) target(%dma_start3A_115 : memref<128x32xbf16, #tpu.memory_space<vmem>>) offsets(%dma_start3A_118 : memref<128xi32, #tpu.memory_space<vmem>>) semaphore(%arg17 : memref<!tpu.dma_semaphore, #tpu.memory_space<semaphore_mem>>)
    %dma_start3A_122 = arith.constant 3 : i32
    %dma_start3A_123 = arith.constant 384 : i32
    %dma_start3A_124 = arith.constant 0 : i32
    %dma_start3A_125 = tpu.memref_slice %arg12[%dma_start3A_123, %dma_start3A_124] : memref<512x32xbf16, #tpu.memory_space<vmem>> -> memref<128x32xbf16, #tpu.memory_space<vmem>>
    %dma_start3A_126 = arith.constant 0 : i32
    %dma_start3A_127 = tpu.memref_slice %arg10[%dma_start3A_122, %dma_start3A_126] : memref<4x128xi32, #tpu.memory_space<vmem>> -> memref<1x128xi32, #tpu.memory_space<vmem>>
    %dma_start3A_128 = tpu.memref_squeeze %dma_start3A_127 : memref<1x128xi32, #tpu.memory_space<vmem>> -> memref<128xi32, #tpu.memory_space<vmem>>
    %dma_start3A_129 = arith.constant 0 : i32
    %dma_start3A_130 = arith.constant 0 : i32
    %dma_start3A_131 = tpu.memref_slice %arg5[%dma_start3A_129, %dma_start3A_130] : memref<1000000x32xbf16, #tpu.memory_space<hbm>> -> memref<1000000x32xbf16, #tpu.memory_space<hbm>>
    tpu.enqueue_indirect_dma source(%dma_start3A_131 : memref<1000000x32xbf16, #tpu.memory_space<hbm>>) target(%dma_start3A_125 : memref<128x32xbf16, #tpu.memory_space<vmem>>) offsets(%dma_start3A_128 : memref<128xi32, #tpu.memory_space<vmem>>) semaphore(%arg17 : memref<!tpu.dma_semaphore, #tpu.memory_space<semaphore_mem>>)
    %dma_start3A_132 = arith.constant 3 : i32
    %dma_start3A_133 = arith.constant 384 : i32
    %dma_start3A_134 = tpu.memref_slice %arg13[%dma_start3A_133] : memref<512xf32, #tpu.memory_space<vmem>> -> memref<128xf32, #tpu.memory_space<vmem>>
    %dma_start3A_135 = arith.constant 0 : i32
    %dma_start3A_136 = tpu.memref_slice %arg9[%dma_start3A_132, %dma_start3A_135] : memref<4x128xi32, #tpu.memory_space<vmem>> -> memref<1x128xi32, #tpu.memory_space<vmem>>
    %dma_start3A_137 = tpu.memref_squeeze %dma_start3A_136 : memref<1x128xi32, #tpu.memory_space<vmem>> -> memref<128xi32, #tpu.memory_space<vmem>>
    %dma_start3A_138 = arith.constant 0 : i32
    %dma_start3A_139 = tpu.memref_slice %arg6[%dma_start3A_138] : memref<1000000xf32, #tpu.memory_space<hbm>> -> memref<1000000xf32, #tpu.memory_space<hbm>>
    tpu.enqueue_indirect_dma source(%dma_start3A_139 : memref<1000000xf32, #tpu.memory_space<hbm>>) target(%dma_start3A_134 : memref<128xf32, #tpu.memory_space<vmem>>) offsets(%dma_start3A_137 : memref<128xi32, #tpu.memory_space<vmem>>) semaphore(%arg17 : memref<!tpu.dma_semaphore, #tpu.memory_space<semaphore_mem>>)
    %dma_start3A_140 = arith.constant 3 : i32
    %dma_start3A_141 = arith.constant 384 : i32
    %dma_start3A_142 = tpu.memref_slice %arg14[%dma_start3A_141] : memref<512xf32, #tpu.memory_space<vmem>> -> memref<128xf32, #tpu.memory_space<vmem>>
    %dma_start3A_143 = arith.constant 0 : i32
    %dma_start3A_144 = tpu.memref_slice %arg10[%dma_start3A_140, %dma_start3A_143] : memref<4x128xi32, #tpu.memory_space<vmem>> -> memref<1x128xi32, #tpu.memory_space<vmem>>
    %dma_start3A_145 = tpu.memref_squeeze %dma_start3A_144 : memref<1x128xi32, #tpu.memory_space<vmem>> -> memref<128xi32, #tpu.memory_space<vmem>>
    %dma_start3A_146 = arith.constant 0 : i32
    %dma_start3A_147 = tpu.memref_slice %arg7[%dma_start3A_146] : memref<1000000xf32, #tpu.memory_space<hbm>> -> memref<1000000xf32, #tpu.memory_space<hbm>>
    tpu.enqueue_indirect_dma source(%dma_start3A_147 : memref<1000000xf32, #tpu.memory_space<hbm>>) target(%dma_start3A_142 : memref<128xf32, #tpu.memory_space<vmem>>) offsets(%dma_start3A_145 : memref<128xi32, #tpu.memory_space<vmem>>) semaphore(%arg17 : memref<!tpu.dma_semaphore, #tpu.memory_space<semaphore_mem>>)
    %dma_wait3A = arith.constant 0 : i32
    %dma_wait3A_148 = arith.constant 0 : i32
    %dma_wait3A_149 = arith.constant 0 : i32
    %dma_wait3A_150 = tpu.memref_slice %arg11[%dma_wait3A_148, %dma_wait3A_149] : memref<512x32xbf16, #tpu.memory_space<vmem>> -> memref<128x32xbf16, #tpu.memory_space<vmem>>
    %dma_wait3A_151 = arith.constant 0 : i32
    %dma_wait3A_152 = tpu.memref_slice %arg9[%dma_wait3A, %dma_wait3A_151] : memref<4x128xi32, #tpu.memory_space<vmem>> -> memref<1x128xi32, #tpu.memory_space<vmem>>
    %dma_wait3A_153 = tpu.memref_squeeze %dma_wait3A_152 : memref<1x128xi32, #tpu.memory_space<vmem>> -> memref<128xi32, #tpu.memory_space<vmem>>
    %dma_wait3A_154 = arith.constant 0 : i32
    %dma_wait3A_155 = arith.constant 0 : i32
    %dma_wait3A_156 = tpu.memref_slice %arg4[%dma_wait3A_154, %dma_wait3A_155] : memref<1000000x32xbf16, #tpu.memory_space<hbm>> -> memref<1000000x32xbf16, #tpu.memory_space<hbm>>
    tpu.wait_indirect_dma semaphore(%arg17 : memref<!tpu.dma_semaphore, #tpu.memory_space<semaphore_mem>>) src(%dma_wait3A_156 : memref<1000000x32xbf16, #tpu.memory_space<hbm>>) dst(%dma_wait3A_150 : memref<128x32xbf16, #tpu.memory_space<vmem>>)
    %dma_wait3A_157 = arith.constant 0 : i32
    %dma_wait3A_158 = arith.constant 0 : i32
    %dma_wait3A_159 = arith.constant 0 : i32
    %dma_wait3A_160 = tpu.memref_slice %arg12[%dma_wait3A_158, %dma_wait3A_159] : memref<512x32xbf16, #tpu.memory_space<vmem>> -> memref<128x32xbf16, #tpu.memory_space<vmem>>
    %dma_wait3A_161 = arith.constant 0 : i32
    %dma_wait3A_162 = tpu.memref_slice %arg10[%dma_wait3A_157, %dma_wait3A_161] : memref<4x128xi32, #tpu.memory_space<vmem>> -> memref<1x128xi32, #tpu.memory_space<vmem>>
    %dma_wait3A_163 = tpu.memref_squeeze %dma_wait3A_162 : memref<1x128xi32, #tpu.memory_space<vmem>> -> memref<128xi32, #tpu.memory_space<vmem>>
    %dma_wait3A_164 = arith.constant 0 : i32
    %dma_wait3A_165 = arith.constant 0 : i32
    %dma_wait3A_166 = tpu.memref_slice %arg5[%dma_wait3A_164, %dma_wait3A_165] : memref<1000000x32xbf16, #tpu.memory_space<hbm>> -> memref<1000000x32xbf16, #tpu.memory_space<hbm>>
    tpu.wait_indirect_dma semaphore(%arg17 : memref<!tpu.dma_semaphore, #tpu.memory_space<semaphore_mem>>) src(%dma_wait3A_166 : memref<1000000x32xbf16, #tpu.memory_space<hbm>>) dst(%dma_wait3A_160 : memref<128x32xbf16, #tpu.memory_space<vmem>>)
    %dma_wait3A_167 = arith.constant 0 : i32
    %dma_wait3A_168 = arith.constant 0 : i32
    %dma_wait3A_169 = tpu.memref_slice %arg13[%dma_wait3A_168] : memref<512xf32, #tpu.memory_space<vmem>> -> memref<128xf32, #tpu.memory_space<vmem>>
    %dma_wait3A_170 = arith.constant 0 : i32
    %dma_wait3A_171 = tpu.memref_slice %arg9[%dma_wait3A_167, %dma_wait3A_170] : memref<4x128xi32, #tpu.memory_space<vmem>> -> memref<1x128xi32, #tpu.memory_space<vmem>>
    %dma_wait3A_172 = tpu.memref_squeeze %dma_wait3A_171 : memref<1x128xi32, #tpu.memory_space<vmem>> -> memref<128xi32, #tpu.memory_space<vmem>>
    %dma_wait3A_173 = arith.constant 0 : i32
    %dma_wait3A_174 = tpu.memref_slice %arg6[%dma_wait3A_173] : memref<1000000xf32, #tpu.memory_space<hbm>> -> memref<1000000xf32, #tpu.memory_space<hbm>>
    tpu.wait_indirect_dma semaphore(%arg17 : memref<!tpu.dma_semaphore, #tpu.memory_space<semaphore_mem>>) src(%dma_wait3A_174 : memref<1000000xf32, #tpu.memory_space<hbm>>) dst(%dma_wait3A_169 : memref<128xf32, #tpu.memory_space<vmem>>)
    %dma_wait3A_175 = arith.constant 0 : i32
    %dma_wait3A_176 = arith.constant 0 : i32
    %dma_wait3A_177 = tpu.memref_slice %arg14[%dma_wait3A_176] : memref<512xf32, #tpu.memory_space<vmem>> -> memref<128xf32, #tpu.memory_space<vmem>>
    %dma_wait3A_178 = arith.constant 0 : i32
    %dma_wait3A_179 = tpu.memref_slice %arg10[%dma_wait3A_175, %dma_wait3A_178] : memref<4x128xi32, #tpu.memory_space<vmem>> -> memref<1x128xi32, #tpu.memory_space<vmem>>
    %dma_wait3A_180 = tpu.memref_squeeze %dma_wait3A_179 : memref<1x128xi32, #tpu.memory_space<vmem>> -> memref<128xi32, #tpu.memory_space<vmem>>
    %dma_wait3A_181 = arith.constant 0 : i32
    %dma_wait3A_182 = tpu.memref_slice %arg7[%dma_wait3A_181] : memref<1000000xf32, #tpu.memory_space<hbm>> -> memref<1000000xf32, #tpu.memory_space<hbm>>
    tpu.wait_indirect_dma semaphore(%arg17 : memref<!tpu.dma_semaphore, #tpu.memory_space<semaphore_mem>>) src(%dma_wait3A_182 : memref<1000000xf32, #tpu.memory_space<hbm>>) dst(%dma_wait3A_177 : memref<128xf32, #tpu.memory_space<vmem>>)
    %dma_wait3A_183 = arith.constant 1 : i32
    %dma_wait3A_184 = arith.constant 128 : i32
    %dma_wait3A_185 = arith.constant 0 : i32
    %dma_wait3A_186 = tpu.memref_slice %arg11[%dma_wait3A_184, %dma_wait3A_185] : memref<512x32xbf16, #tpu.memory_space<vmem>> -> memref<128x32xbf16, #tpu.memory_space<vmem>>
    %dma_wait3A_187 = arith.constant 0 : i32
    %dma_wait3A_188 = tpu.memref_slice %arg9[%dma_wait3A_183, %dma_wait3A_187] : memref<4x128xi32, #tpu.memory_space<vmem>> -> memref<1x128xi32, #tpu.memory_space<vmem>>
    %dma_wait3A_189 = tpu.memref_squeeze %dma_wait3A_188 : memref<1x128xi32, #tpu.memory_space<vmem>> -> memref<128xi32, #tpu.memory_space<vmem>>
    %dma_wait3A_190 = arith.constant 0 : i32
    %dma_wait3A_191 = arith.constant 0 : i32
    %dma_wait3A_192 = tpu.memref_slice %arg4[%dma_wait3A_190, %dma_wait3A_191] : memref<1000000x32xbf16, #tpu.memory_space<hbm>> -> memref<1000000x32xbf16, #tpu.memory_space<hbm>>
    tpu.wait_indirect_dma semaphore(%arg17 : memref<!tpu.dma_semaphore, #tpu.memory_space<semaphore_mem>>) src(%dma_wait3A_192 : memref<1000000x32xbf16, #tpu.memory_space<hbm>>) dst(%dma_wait3A_186 : memref<128x32xbf16, #tpu.memory_space<vmem>>)
    %dma_wait3A_193 = arith.constant 1 : i32
    %dma_wait3A_194 = arith.constant 128 : i32
    %dma_wait3A_195 = arith.constant 0 : i32
    %dma_wait3A_196 = tpu.memref_slice %arg12[%dma_wait3A_194, %dma_wait3A_195] : memref<512x32xbf16, #tpu.memory_space<vmem>> -> memref<128x32xbf16, #tpu.memory_space<vmem>>
    %dma_wait3A_197 = arith.constant 0 : i32
    %dma_wait3A_198 = tpu.memref_slice %arg10[%dma_wait3A_193, %dma_wait3A_197] : memref<4x128xi32, #tpu.memory_space<vmem>> -> memref<1x128xi32, #tpu.memory_space<vmem>>
    %dma_wait3A_199 = tpu.memref_squeeze %dma_wait3A_198 : memref<1x128xi32, #tpu.memory_space<vmem>> -> memref<128xi32, #tpu.memory_space<vmem>>
    %dma_wait3A_200 = arith.constant 0 : i32
    %dma_wait3A_201 = arith.constant 0 : i32
    %dma_wait3A_202 = tpu.memref_slice %arg5[%dma_wait3A_200, %dma_wait3A_201] : memref<1000000x32xbf16, #tpu.memory_space<hbm>> -> memref<1000000x32xbf16, #tpu.memory_space<hbm>>
    tpu.wait_indirect_dma semaphore(%arg17 : memref<!tpu.dma_semaphore, #tpu.memory_space<semaphore_mem>>) src(%dma_wait3A_202 : memref<1000000x32xbf16, #tpu.memory_space<hbm>>) dst(%dma_wait3A_196 : memref<128x32xbf16, #tpu.memory_space<vmem>>)
    %dma_wait3A_203 = arith.constant 1 : i32
    %dma_wait3A_204 = arith.constant 128 : i32
    %dma_wait3A_205 = tpu.memref_slice %arg13[%dma_wait3A_204] : memref<512xf32, #tpu.memory_space<vmem>> -> memref<128xf32, #tpu.memory_space<vmem>>
    %dma_wait3A_206 = arith.constant 0 : i32
    %dma_wait3A_207 = tpu.memref_slice %arg9[%dma_wait3A_203, %dma_wait3A_206] : memref<4x128xi32, #tpu.memory_space<vmem>> -> memref<1x128xi32, #tpu.memory_space<vmem>>
    %dma_wait3A_208 = tpu.memref_squeeze %dma_wait3A_207 : memref<1x128xi32, #tpu.memory_space<vmem>> -> memref<128xi32, #tpu.memory_space<vmem>>
    %dma_wait3A_209 = arith.constant 0 : i32
    %dma_wait3A_210 = tpu.memref_slice %arg6[%dma_wait3A_209] : memref<1000000xf32, #tpu.memory_space<hbm>> -> memref<1000000xf32, #tpu.memory_space<hbm>>
    tpu.wait_indirect_dma semaphore(%arg17 : memref<!tpu.dma_semaphore, #tpu.memory_space<semaphore_mem>>) src(%dma_wait3A_210 : memref<1000000xf32, #tpu.memory_space<hbm>>) dst(%dma_wait3A_205 : memref<128xf32, #tpu.memory_space<vmem>>)
    %dma_wait3A_211 = arith.constant 1 : i32
    %dma_wait3A_212 = arith.constant 128 : i32
    %dma_wait3A_213 = tpu.memref_slice %arg14[%dma_wait3A_212] : memref<512xf32, #tpu.memory_space<vmem>> -> memref<128xf32, #tpu.memory_space<vmem>>
    %dma_wait3A_214 = arith.constant 0 : i32
    %dma_wait3A_215 = tpu.memref_slice %arg10[%dma_wait3A_211, %dma_wait3A_214] : memref<4x128xi32, #tpu.memory_space<vmem>> -> memref<1x128xi32, #tpu.memory_space<vmem>>
    %dma_wait3A_216 = tpu.memref_squeeze %dma_wait3A_215 : memref<1x128xi32, #tpu.memory_space<vmem>> -> memref<128xi32, #tpu.memory_space<vmem>>
    %dma_wait3A_217 = arith.constant 0 : i32
    %dma_wait3A_218 = tpu.memref_slice %arg7[%dma_wait3A_217] : memref<1000000xf32, #tpu.memory_space<hbm>> -> memref<1000000xf32, #tpu.memory_space<hbm>>
    tpu.wait_indirect_dma semaphore(%arg17 : memref<!tpu.dma_semaphore, #tpu.memory_space<semaphore_mem>>) src(%dma_wait3A_218 : memref<1000000xf32, #tpu.memory_space<hbm>>) dst(%dma_wait3A_213 : memref<128xf32, #tpu.memory_space<vmem>>)
    %dma_wait3A_219 = arith.constant 2 : i32
    %dma_wait3A_220 = arith.constant 256 : i32
    %dma_wait3A_221 = arith.constant 0 : i32
    %dma_wait3A_222 = tpu.memref_slice %arg11[%dma_wait3A_220, %dma_wait3A_221] : memref<512x32xbf16, #tpu.memory_space<vmem>> -> memref<128x32xbf16, #tpu.memory_space<vmem>>
    %dma_wait3A_223 = arith.constant 0 : i32
    %dma_wait3A_224 = tpu.memref_slice %arg9[%dma_wait3A_219, %dma_wait3A_223] : memref<4x128xi32, #tpu.memory_space<vmem>> -> memref<1x128xi32, #tpu.memory_space<vmem>>
    %dma_wait3A_225 = tpu.memref_squeeze %dma_wait3A_224 : memref<1x128xi32, #tpu.memory_space<vmem>> -> memref<128xi32, #tpu.memory_space<vmem>>
    %dma_wait3A_226 = arith.constant 0 : i32
    %dma_wait3A_227 = arith.constant 0 : i32
    %dma_wait3A_228 = tpu.memref_slice %arg4[%dma_wait3A_226, %dma_wait3A_227] : memref<1000000x32xbf16, #tpu.memory_space<hbm>> -> memref<1000000x32xbf16, #tpu.memory_space<hbm>>
    tpu.wait_indirect_dma semaphore(%arg17 : memref<!tpu.dma_semaphore, #tpu.memory_space<semaphore_mem>>) src(%dma_wait3A_228 : memref<1000000x32xbf16, #tpu.memory_space<hbm>>) dst(%dma_wait3A_222 : memref<128x32xbf16, #tpu.memory_space<vmem>>)
    %dma_wait3A_229 = arith.constant 2 : i32
    %dma_wait3A_230 = arith.constant 256 : i32
    %dma_wait3A_231 = arith.constant 0 : i32
    %dma_wait3A_232 = tpu.memref_slice %arg12[%dma_wait3A_230, %dma_wait3A_231] : memref<512x32xbf16, #tpu.memory_space<vmem>> -> memref<128x32xbf16, #tpu.memory_space<vmem>>
    %dma_wait3A_233 = arith.constant 0 : i32
    %dma_wait3A_234 = tpu.memref_slice %arg10[%dma_wait3A_229, %dma_wait3A_233] : memref<4x128xi32, #tpu.memory_space<vmem>> -> memref<1x128xi32, #tpu.memory_space<vmem>>
    %dma_wait3A_235 = tpu.memref_squeeze %dma_wait3A_234 : memref<1x128xi32, #tpu.memory_space<vmem>> -> memref<128xi32, #tpu.memory_space<vmem>>
    %dma_wait3A_236 = arith.constant 0 : i32
    %dma_wait3A_237 = arith.constant 0 : i32
    %dma_wait3A_238 = tpu.memref_slice %arg5[%dma_wait3A_236, %dma_wait3A_237] : memref<1000000x32xbf16, #tpu.memory_space<hbm>> -> memref<1000000x32xbf16, #tpu.memory_space<hbm>>
    tpu.wait_indirect_dma semaphore(%arg17 : memref<!tpu.dma_semaphore, #tpu.memory_space<semaphore_mem>>) src(%dma_wait3A_238 : memref<1000000x32xbf16, #tpu.memory_space<hbm>>) dst(%dma_wait3A_232 : memref<128x32xbf16, #tpu.memory_space<vmem>>)
    %dma_wait3A_239 = arith.constant 2 : i32
    %dma_wait3A_240 = arith.constant 256 : i32
    %dma_wait3A_241 = tpu.memref_slice %arg13[%dma_wait3A_240] : memref<512xf32, #tpu.memory_space<vmem>> -> memref<128xf32, #tpu.memory_space<vmem>>
    %dma_wait3A_242 = arith.constant 0 : i32
    %dma_wait3A_243 = tpu.memref_slice %arg9[%dma_wait3A_239, %dma_wait3A_242] : memref<4x128xi32, #tpu.memory_space<vmem>> -> memref<1x128xi32, #tpu.memory_space<vmem>>
    %dma_wait3A_244 = tpu.memref_squeeze %dma_wait3A_243 : memref<1x128xi32, #tpu.memory_space<vmem>> -> memref<128xi32, #tpu.memory_space<vmem>>
    %dma_wait3A_245 = arith.constant 0 : i32
    %dma_wait3A_246 = tpu.memref_slice %arg6[%dma_wait3A_245] : memref<1000000xf32, #tpu.memory_space<hbm>> -> memref<1000000xf32, #tpu.memory_space<hbm>>
    tpu.wait_indirect_dma semaphore(%arg17 : memref<!tpu.dma_semaphore, #tpu.memory_space<semaphore_mem>>) src(%dma_wait3A_246 : memref<1000000xf32, #tpu.memory_space<hbm>>) dst(%dma_wait3A_241 : memref<128xf32, #tpu.memory_space<vmem>>)
    %dma_wait3A_247 = arith.constant 2 : i32
    %dma_wait3A_248 = arith.constant 256 : i32
    %dma_wait3A_249 = tpu.memref_slice %arg14[%dma_wait3A_248] : memref<512xf32, #tpu.memory_space<vmem>> -> memref<128xf32, #tpu.memory_space<vmem>>
    %dma_wait3A_250 = arith.constant 0 : i32
    %dma_wait3A_251 = tpu.memref_slice %arg10[%dma_wait3A_247, %dma_wait3A_250] : memref<4x128xi32, #tpu.memory_space<vmem>> -> memref<1x128xi32, #tpu.memory_space<vmem>>
    %dma_wait3A_252 = tpu.memref_squeeze %dma_wait3A_251 : memref<1x128xi32, #tpu.memory_space<vmem>> -> memref<128xi32, #tpu.memory_space<vmem>>
    %dma_wait3A_253 = arith.constant 0 : i32
    %dma_wait3A_254 = tpu.memref_slice %arg7[%dma_wait3A_253] : memref<1000000xf32, #tpu.memory_space<hbm>> -> memref<1000000xf32, #tpu.memory_space<hbm>>
    tpu.wait_indirect_dma semaphore(%arg17 : memref<!tpu.dma_semaphore, #tpu.memory_space<semaphore_mem>>) src(%dma_wait3A_254 : memref<1000000xf32, #tpu.memory_space<hbm>>) dst(%dma_wait3A_249 : memref<128xf32, #tpu.memory_space<vmem>>)
    %dma_wait3A_255 = arith.constant 3 : i32
    %dma_wait3A_256 = arith.constant 384 : i32
    %dma_wait3A_257 = arith.constant 0 : i32
    %dma_wait3A_258 = tpu.memref_slice %arg11[%dma_wait3A_256, %dma_wait3A_257] : memref<512x32xbf16, #tpu.memory_space<vmem>> -> memref<128x32xbf16, #tpu.memory_space<vmem>>
    %dma_wait3A_259 = arith.constant 0 : i32
    %dma_wait3A_260 = tpu.memref_slice %arg9[%dma_wait3A_255, %dma_wait3A_259] : memref<4x128xi32, #tpu.memory_space<vmem>> -> memref<1x128xi32, #tpu.memory_space<vmem>>
    %dma_wait3A_261 = tpu.memref_squeeze %dma_wait3A_260 : memref<1x128xi32, #tpu.memory_space<vmem>> -> memref<128xi32, #tpu.memory_space<vmem>>
    %dma_wait3A_262 = arith.constant 0 : i32
    %dma_wait3A_263 = arith.constant 0 : i32
    %dma_wait3A_264 = tpu.memref_slice %arg4[%dma_wait3A_262, %dma_wait3A_263] : memref<1000000x32xbf16, #tpu.memory_space<hbm>> -> memref<1000000x32xbf16, #tpu.memory_space<hbm>>
    tpu.wait_indirect_dma semaphore(%arg17 : memref<!tpu.dma_semaphore, #tpu.memory_space<semaphore_mem>>) src(%dma_wait3A_264 : memref<1000000x32xbf16, #tpu.memory_space<hbm>>) dst(%dma_wait3A_258 : memref<128x32xbf16, #tpu.memory_space<vmem>>)
    %dma_wait3A_265 = arith.constant 3 : i32
    %dma_wait3A_266 = arith.constant 384 : i32
    %dma_wait3A_267 = arith.constant 0 : i32
    %dma_wait3A_268 = tpu.memref_slice %arg12[%dma_wait3A_266, %dma_wait3A_267] : memref<512x32xbf16, #tpu.memory_space<vmem>> -> memref<128x32xbf16, #tpu.memory_space<vmem>>
    %dma_wait3A_269 = arith.constant 0 : i32
    %dma_wait3A_270 = tpu.memref_slice %arg10[%dma_wait3A_265, %dma_wait3A_269] : memref<4x128xi32, #tpu.memory_space<vmem>> -> memref<1x128xi32, #tpu.memory_space<vmem>>
    %dma_wait3A_271 = tpu.memref_squeeze %dma_wait3A_270 : memref<1x128xi32, #tpu.memory_space<vmem>> -> memref<128xi32, #tpu.memory_space<vmem>>
    %dma_wait3A_272 = arith.constant 0 : i32
    %dma_wait3A_273 = arith.constant 0 : i32
    %dma_wait3A_274 = tpu.memref_slice %arg5[%dma_wait3A_272, %dma_wait3A_273] : memref<1000000x32xbf16, #tpu.memory_space<hbm>> -> memref<1000000x32xbf16, #tpu.memory_space<hbm>>
    tpu.wait_indirect_dma semaphore(%arg17 : memref<!tpu.dma_semaphore, #tpu.memory_space<semaphore_mem>>) src(%dma_wait3A_274 : memref<1000000x32xbf16, #tpu.memory_space<hbm>>) dst(%dma_wait3A_268 : memref<128x32xbf16, #tpu.memory_space<vmem>>)
    %dma_wait3A_275 = arith.constant 3 : i32
    %dma_wait3A_276 = arith.constant 384 : i32
    %dma_wait3A_277 = tpu.memref_slice %arg13[%dma_wait3A_276] : memref<512xf32, #tpu.memory_space<vmem>> -> memref<128xf32, #tpu.memory_space<vmem>>
    %dma_wait3A_278 = arith.constant 0 : i32
    %dma_wait3A_279 = tpu.memref_slice %arg9[%dma_wait3A_275, %dma_wait3A_278] : memref<4x128xi32, #tpu.memory_space<vmem>> -> memref<1x128xi32, #tpu.memory_space<vmem>>
    %dma_wait3A_280 = tpu.memref_squeeze %dma_wait3A_279 : memref<1x128xi32, #tpu.memory_space<vmem>> -> memref<128xi32, #tpu.memory_space<vmem>>
    %dma_wait3A_281 = arith.constant 0 : i32
    %dma_wait3A_282 = tpu.memref_slice %arg6[%dma_wait3A_281] : memref<1000000xf32, #tpu.memory_space<hbm>> -> memref<1000000xf32, #tpu.memory_space<hbm>>
    tpu.wait_indirect_dma semaphore(%arg17 : memref<!tpu.dma_semaphore, #tpu.memory_space<semaphore_mem>>) src(%dma_wait3A_282 : memref<1000000xf32, #tpu.memory_space<hbm>>) dst(%dma_wait3A_277 : memref<128xf32, #tpu.memory_space<vmem>>)
    %dma_wait3A_283 = arith.constant 3 : i32
    %dma_wait3A_284 = arith.constant 384 : i32
    %dma_wait3A_285 = tpu.memref_slice %arg14[%dma_wait3A_284] : memref<512xf32, #tpu.memory_space<vmem>> -> memref<128xf32, #tpu.memory_space<vmem>>
    %dma_wait3A_286 = arith.constant 0 : i32
    %dma_wait3A_287 = tpu.memref_slice %arg10[%dma_wait3A_283, %dma_wait3A_286] : memref<4x128xi32, #tpu.memory_space<vmem>> -> memref<1x128xi32, #tpu.memory_space<vmem>>
    %dma_wait3A_288 = tpu.memref_squeeze %dma_wait3A_287 : memref<1x128xi32, #tpu.memory_space<vmem>> -> memref<128xi32, #tpu.memory_space<vmem>>
    %dma_wait3A_289 = arith.constant 0 : i32
    %dma_wait3A_290 = tpu.memref_slice %arg7[%dma_wait3A_289] : memref<1000000xf32, #tpu.memory_space<hbm>> -> memref<1000000xf32, #tpu.memory_space<hbm>>
    tpu.wait_indirect_dma semaphore(%arg17 : memref<!tpu.dma_semaphore, #tpu.memory_space<semaphore_mem>>) src(%dma_wait3A_290 : memref<1000000xf32, #tpu.memory_space<hbm>>) dst(%dma_wait3A_285 : memref<128xf32, #tpu.memory_space<vmem>>)
    %iota3A = tpu.iota {dimensions = array<i32: 0>} : vector<16xi32>
    %mul3A_291 = arith.constant 17 : i32
    %mul3A_292 = vector.broadcast %mul3A_291 : i32 to vector<16xi32>
    %mul3A_293 = arith.muli %iota3A, %mul3A_292 : vector<16xi32>
    %scan3A = arith.constant 0 : i32
    %scan3A_294 = arith.constant 0 : i32
    %scan3A_295 = arith.constant 32 : i32
    %scan3A_296 = arith.addi %scan3A_294, %scan3A_295 : i32
    %scan3A_297 = arith.constant 1 : i32
    %scan3A_298 = scf.for %scan3A_300 = %scan3A_294 to %scan3A_296 step %scan3A_297 iter_args(%scan3A_301 = %scan3A) -> (i32)  : i32 {
      %mul3A_302 = arith.constant 16 : i32
      %mul3A_303 = arith.muli %scan3A_300, %mul3A_302 : i32
      %add3A_304 = arith.constant 0 : i32
      %add3A_305 = arith.addi %mul3A_303, %add3A_304 : i32
      %get3A = arith.index_cast %add3A_305 : i32 to index
      %get3A_306 = arith.constant 0 : index
      %get3A_307 = tpu.vector_load %arg11[%get3A, %get3A_306] {strides = array<i32>} : memref<512x32xbf16, #tpu.memory_space<vmem>>, vector<32xbf16>,
      %unpack3A = tpu.unpack_subelements %get3A_307, 0 {pack_format = #tpu.pack_format<interleaved>} : vector<32xbf16> -> vector<16xf32>
      %unpack3A_308 = tpu.unpack_subelements %get3A_307, 1 {pack_format = #tpu.pack_format<interleaved>} : vector<32xbf16> -> vector<16xf32>
      %get3A_309 = arith.index_cast %add3A_305 : i32 to index
      %get3A_310 = arith.constant 0 : index
      %get3A_311 = tpu.vector_load %arg12[%get3A_309, %get3A_310] {strides = array<i32>} : memref<512x32xbf16, #tpu.memory_space<vmem>>, vector<32xbf16>,
      %unpack3A_312 = tpu.unpack_subelements %get3A_311, 0 {pack_format = #tpu.pack_format<interleaved>} : vector<32xbf16> -> vector<16xf32>
      %unpack3A_313 = tpu.unpack_subelements %get3A_311, 1 {pack_format = #tpu.pack_format<interleaved>} : vector<32xbf16> -> vector<16xf32>
      %mul3A_314 = arith.mulf %unpack3A, %unpack3A_312 : vector<16xf32>
      %mul3A_315 = arith.mulf %unpack3A_308, %unpack3A_313 : vector<16xf32>
      %add3A_316 = arith.addf %mul3A_314, %mul3A_315 : vector<16xf32>
      %swap3A = arith.constant 0 : index
      %swap3A_317 = tpu.vector_load %arg16[%swap3A] {strides = array<i32>} : memref<272xf32, #tpu.memory_space<vmem>>, vector<16xf32>,
      tpu.vector_store %arg16[%swap3A], %add3A_316 {strides = array<i32>} : memref<272xf32, #tpu.memory_space<vmem>>, vector<16xf32>,
      %add3A_318 = arith.constant 1 : i32
      %add3A_319 = arith.addi %mul3A_303, %add3A_318 : i32
      %get3A_320 = arith.index_cast %add3A_319 : i32 to index
      %get3A_321 = arith.constant 0 : index
      %get3A_322 = tpu.vector_load %arg11[%get3A_320, %get3A_321] {strides = array<i32>} : memref<512x32xbf16, #tpu.memory_space<vmem>>, vector<32xbf16>,
      %unpack3A_323 = tpu.unpack_subelements %get3A_322, 0 {pack_format = #tpu.pack_format<interleaved>} : vector<32xbf16> -> vector<16xf32>
      %unpack3A_324 = tpu.unpack_subelements %get3A_322, 1 {pack_format = #tpu.pack_format<interleaved>} : vector<32xbf16> -> vector<16xf32>
      %get3A_325 = arith.index_cast %add3A_319 : i32 to index
      %get3A_326 = arith.constant 0 : index
      %get3A_327 = tpu.vector_load %arg12[%get3A_325, %get3A_326] {strides = array<i32>} : memref<512x32xbf16, #tpu.memory_space<vmem>>, vector<32xbf16>,
      %unpack3A_328 = tpu.unpack_subelements %get3A_327, 0 {pack_format = #tpu.pack_format<interleaved>} : vector<32xbf16> -> vector<16xf32>
      %unpack3A_329 = tpu.unpack_subelements %get3A_327, 1 {pack_format = #tpu.pack_format<interleaved>} : vector<32xbf16> -> vector<16xf32>
      %mul3A_330 = arith.mulf %unpack3A_323, %unpack3A_328 : vector<16xf32>
      %mul3A_331 = arith.mulf %unpack3A_324, %unpack3A_329 : vector<16xf32>
      %add3A_332 = arith.addf %mul3A_330, %mul3A_331 : vector<16xf32>
      %swap3A_333 = arith.constant 17 : index
      %swap3A_334 = tpu.vector_load %arg16[%swap3A_333] {strides = array<i32>} : memref<272xf32, #tpu.memory_space<vmem>>, vector<16xf32>,
      tpu.vector_store %arg16[%swap3A_333], %add3A_332 {strides = array<i32>} : memref<272xf32, #tpu.memory_space<vmem>>, vector<16xf32>,
      %add3A_335 = arith.constant 2 : i32
      %add3A_336 = arith.addi %mul3A_303, %add3A_335 : i32
      %get3A_337 = arith.index_cast %add3A_336 : i32 to index
      %get3A_338 = arith.constant 0 : index
      %get3A_339 = tpu.vector_load %arg11[%get3A_337, %get3A_338] {strides = array<i32>} : memref<512x32xbf16, #tpu.memory_space<vmem>>, vector<32xbf16>,
      %unpack3A_340 = tpu.unpack_subelements %get3A_339, 0 {pack_format = #tpu.pack_format<interleaved>} : vector<32xbf16> -> vector<16xf32>
      %unpack3A_341 = tpu.unpack_subelements %get3A_339, 1 {pack_format = #tpu.pack_format<interleaved>} : vector<32xbf16> -> vector<16xf32>
      %get3A_342 = arith.index_cast %add3A_336 : i32 to index
      %get3A_343 = arith.constant 0 : index
      %get3A_344 = tpu.vector_load %arg12[%get3A_342, %get3A_343] {strides = array<i32>} : memref<512x32xbf16, #tpu.memory_space<vmem>>, vector<32xbf16>,
      %unpack3A_345 = tpu.unpack_subelements %get3A_344, 0 {pack_format = #tpu.pack_format<interleaved>} : vector<32xbf16> -> vector<16xf32>
      %unpack3A_346 = tpu.unpack_subelements %get3A_344, 1 {pack_format = #tpu.pack_format<interleaved>} : vector<32xbf16> -> vector<16xf32>
      %mul3A_347 = arith.mulf %unpack3A_340, %unpack3A_345 : vector<16xf32>
      %mul3A_348 = arith.mulf %unpack3A_341, %unpack3A_346 : vector<16xf32>
      %add3A_349 = arith.addf %mul3A_347, %mul3A_348 : vector<16xf32>
      %swap3A_350 = arith.constant 34 : index
      %swap3A_351 = tpu.vector_load %arg16[%swap3A_350] {strides = array<i32>} : memref<272xf32, #tpu.memory_space<vmem>>, vector<16xf32>,
      tpu.vector_store %arg16[%swap3A_350], %add3A_349 {strides = array<i32>} : memref<272xf32, #tpu.memory_space<vmem>>, vector<16xf32>,
      %add3A_352 = arith.constant 3 : i32
      %add3A_353 = arith.addi %mul3A_303, %add3A_352 : i32
      %get3A_354 = arith.index_cast %add3A_353 : i32 to index
      %get3A_355 = arith.constant 0 : index
      %get3A_356 = tpu.vector_load %arg11[%get3A_354, %get3A_355] {strides = array<i32>} : memref<512x32xbf16, #tpu.memory_space<vmem>>, vector<32xbf16>,
      %unpack3A_357 = tpu.unpack_subelements %get3A_356, 0 {pack_format = #tpu.pack_format<interleaved>} : vector<32xbf16> -> vector<16xf32>
      %unpack3A_358 = tpu.unpack_subelements %get3A_356, 1 {pack_format = #tpu.pack_format<interleaved>} : vector<32xbf16> -> vector<16xf32>
      %get3A_359 = arith.index_cast %add3A_353 : i32 to index
      %get3A_360 = arith.constant 0 : index
      %get3A_361 = tpu.vector_load %arg12[%get3A_359, %get3A_360] {strides = array<i32>} : memref<512x32xbf16, #tpu.memory_space<vmem>>, vector<32xbf16>,
      %unpack3A_362 = tpu.unpack_subelements %get3A_361, 0 {pack_format = #tpu.pack_format<interleaved>} : vector<32xbf16> -> vector<16xf32>
      %unpack3A_363 = tpu.unpack_subelements %get3A_361, 1 {pack_format = #tpu.pack_format<interleaved>} : vector<32xbf16> -> vector<16xf32>
      %mul3A_364 = arith.mulf %unpack3A_357, %unpack3A_362 : vector<16xf32>
      %mul3A_365 = arith.mulf %unpack3A_358, %unpack3A_363 : vector<16xf32>
      %add3A_366 = arith.addf %mul3A_364, %mul3A_365 : vector<16xf32>
      %swap3A_367 = arith.constant 51 : index
      %swap3A_368 = tpu.vector_load %arg16[%swap3A_367] {strides = array<i32>} : memref<272xf32, #tpu.memory_space<vmem>>, vector<16xf32>,
      tpu.vector_store %arg16[%swap3A_367], %add3A_366 {strides = array<i32>} : memref<272xf32, #tpu.memory_space<vmem>>, vector<16xf32>,
      %add3A_369 = arith.constant 4 : i32
      %add3A_370 = arith.addi %mul3A_303, %add3A_369 : i32
      %get3A_371 = arith.index_cast %add3A_370 : i32 to index
      %get3A_372 = arith.constant 0 : index
      %get3A_373 = tpu.vector_load %arg11[%get3A_371, %get3A_372] {strides = array<i32>} : memref<512x32xbf16, #tpu.memory_space<vmem>>, vector<32xbf16>,
      %unpack3A_374 = tpu.unpack_subelements %get3A_373, 0 {pack_format = #tpu.pack_format<interleaved>} : vector<32xbf16> -> vector<16xf32>
      %unpack3A_375 = tpu.unpack_subelements %get3A_373, 1 {pack_format = #tpu.pack_format<interleaved>} : vector<32xbf16> -> vector<16xf32>
      %get3A_376 = arith.index_cast %add3A_370 : i32 to index
      %get3A_377 = arith.constant 0 : index
      %get3A_378 = tpu.vector_load %arg12[%get3A_376, %get3A_377] {strides = array<i32>} : memref<512x32xbf16, #tpu.memory_space<vmem>>, vector<32xbf16>,
      %unpack3A_379 = tpu.unpack_subelements %get3A_378, 0 {pack_format = #tpu.pack_format<interleaved>} : vector<32xbf16> -> vector<16xf32>
      %unpack3A_380 = tpu.unpack_subelements %get3A_378, 1 {pack_format = #tpu.pack_format<interleaved>} : vector<32xbf16> -> vector<16xf32>
      %mul3A_381 = arith.mulf %unpack3A_374, %unpack3A_379 : vector<16xf32>
      %mul3A_382 = arith.mulf %unpack3A_375, %unpack3A_380 : vector<16xf32>
      %add3A_383 = arith.addf %mul3A_381, %mul3A_382 : vector<16xf32>
      %swap3A_384 = arith.constant 68 : index
      %swap3A_385 = tpu.vector_load %arg16[%swap3A_384] {strides = array<i32>} : memref<272xf32, #tpu.memory_space<vmem>>, vector<16xf32>,
      tpu.vector_store %arg16[%swap3A_384], %add3A_383 {strides = array<i32>} : memref<272xf32, #tpu.memory_space<vmem>>, vector<16xf32>,
      %add3A_386 = arith.constant 5 : i32
      %add3A_387 = arith.addi %mul3A_303, %add3A_386 : i32
      %get3A_388 = arith.index_cast %add3A_387 : i32 to index
      %get3A_389 = arith.constant 0 : index
      %get3A_390 = tpu.vector_load %arg11[%get3A_388, %get3A_389] {strides = array<i32>} : memref<512x32xbf16, #tpu.memory_space<vmem>>, vector<32xbf16>,
      %unpack3A_391 = tpu.unpack_subelements %get3A_390, 0 {pack_format = #tpu.pack_format<interleaved>} : vector<32xbf16> -> vector<16xf32>
      %unpack3A_392 = tpu.unpack_subelements %get3A_390, 1 {pack_format = #tpu.pack_format<interleaved>} : vector<32xbf16> -> vector<16xf32>
      %get3A_393 = arith.index_cast %add3A_387 : i32 to index
      %get3A_394 = arith.constant 0 : index
      %get3A_395 = tpu.vector_load %arg12[%get3A_393, %get3A_394] {strides = array<i32>} : memref<512x32xbf16, #tpu.memory_space<vmem>>, vector<32xbf16>,
      %unpack3A_396 = tpu.unpack_subelements %get3A_395, 0 {pack_format = #tpu.pack_format<interleaved>} : vector<32xbf16> -> vector<16xf32>
      %unpack3A_397 = tpu.unpack_subelements %get3A_395, 1 {pack_format = #tpu.pack_format<interleaved>} : vector<32xbf16> -> vector<16xf32>
      %mul3A_398 = arith.mulf %unpack3A_391, %unpack3A_396 : vector<16xf32>
      %mul3A_399 = arith.mulf %unpack3A_392, %unpack3A_397 : vector<16xf32>
      %add3A_400 = arith.addf %mul3A_398, %mul3A_399 : vector<16xf32>
      %swap3A_401 = arith.constant 85 : index
      %swap3A_402 = tpu.vector_load %arg16[%swap3A_401] {strides = array<i32>} : memref<272xf32, #tpu.memory_space<vmem>>, vector<16xf32>,
      tpu.vector_store %arg16[%swap3A_401], %add3A_400 {strides = array<i32>} : memref<272xf32, #tpu.memory_space<vmem>>, vector<16xf32>,
      %add3A_403 = arith.constant 6 : i32
      %add3A_404 = arith.addi %mul3A_303, %add3A_403 : i32
      %get3A_405 = arith.index_cast %add3A_404 : i32 to index
      %get3A_406 = arith.constant 0 : index
      %get3A_407 = tpu.vector_load %arg11[%get3A_405, %get3A_406] {strides = array<i32>} : memref<512x32xbf16, #tpu.memory_space<vmem>>, vector<32xbf16>,
      %unpack3A_408 = tpu.unpack_subelements %get3A_407, 0 {pack_format = #tpu.pack_format<interleaved>} : vector<32xbf16> -> vector<16xf32>
      %unpack3A_409 = tpu.unpack_subelements %get3A_407, 1 {pack_format = #tpu.pack_format<interleaved>} : vector<32xbf16> -> vector<16xf32>
      %get3A_410 = arith.index_cast %add3A_404 : i32 to index
      %get3A_411 = arith.constant 0 : index
      %get3A_412 = tpu.vector_load %arg12[%get3A_410, %get3A_411] {strides = array<i32>} : memref<512x32xbf16, #tpu.memory_space<vmem>>, vector<32xbf16>,
      %unpack3A_413 = tpu.unpack_subelements %get3A_412, 0 {pack_format = #tpu.pack_format<interleaved>} : vector<32xbf16> -> vector<16xf32>
      %unpack3A_414 = tpu.unpack_subelements %get3A_412, 1 {pack_format = #tpu.pack_format<interleaved>} : vector<32xbf16> -> vector<16xf32>
      %mul3A_415 = arith.mulf %unpack3A_408, %unpack3A_413 : vector<16xf32>
      %mul3A_416 = arith.mulf %unpack3A_409, %unpack3A_414 : vector<16xf32>
      %add3A_417 = arith.addf %mul3A_415, %mul3A_416 : vector<16xf32>
      %swap3A_418 = arith.constant 102 : index
      %swap3A_419 = tpu.vector_load %arg16[%swap3A_418] {strides = array<i32>} : memref<272xf32, #tpu.memory_space<vmem>>, vector<16xf32>,
      tpu.vector_store %arg16[%swap3A_418], %add3A_417 {strides = array<i32>} : memref<272xf32, #tpu.memory_space<vmem>>, vector<16xf32>,
      %add3A_420 = arith.constant 7 : i32
      %add3A_421 = arith.addi %mul3A_303, %add3A_420 : i32
      %get3A_422 = arith.index_cast %add3A_421 : i32 to index
      %get3A_423 = arith.constant 0 : index
      %get3A_424 = tpu.vector_load %arg11[%get3A_422, %get3A_423] {strides = array<i32>} : memref<512x32xbf16, #tpu.memory_space<vmem>>, vector<32xbf16>,
      %unpack3A_425 = tpu.unpack_subelements %get3A_424, 0 {pack_format = #tpu.pack_format<interleaved>} : vector<32xbf16> -> vector<16xf32>
      %unpack3A_426 = tpu.unpack_subelements %get3A_424, 1 {pack_format = #tpu.pack_format<interleaved>} : vector<32xbf16> -> vector<16xf32>
      %get3A_427 = arith.index_cast %add3A_421 : i32 to index
      %get3A_428 = arith.constant 0 : index
      %get3A_429 = tpu.vector_load %arg12[%get3A_427, %get3A_428] {strides = array<i32>} : memref<512x32xbf16, #tpu.memory_space<vmem>>, vector<32xbf16>,
      %unpack3A_430 = tpu.unpack_subelements %get3A_429, 0 {pack_format = #tpu.pack_format<interleaved>} : vector<32xbf16> -> vector<16xf32>
      %unpack3A_431 = tpu.unpack_subelements %get3A_429, 1 {pack_format = #tpu.pack_format<interleaved>} : vector<32xbf16> -> vector<16xf32>
      %mul3A_432 = arith.mulf %unpack3A_425, %unpack3A_430 : vector<16xf32>
      %mul3A_433 = arith.mulf %unpack3A_426, %unpack3A_431 : vector<16xf32>
      %add3A_434 = arith.addf %mul3A_432, %mul3A_433 : vector<16xf32>
      %swap3A_435 = arith.constant 119 : index
      %swap3A_436 = tpu.vector_load %arg16[%swap3A_435] {strides = array<i32>} : memref<272xf32, #tpu.memory_space<vmem>>, vector<16xf32>,
      tpu.vector_store %arg16[%swap3A_435], %add3A_434 {strides = array<i32>} : memref<272xf32, #tpu.memory_space<vmem>>, vector<16xf32>,
      %add3A_437 = arith.constant 8 : i32
      %add3A_438 = arith.addi %mul3A_303, %add3A_437 : i32
      %get3A_439 = arith.index_cast %add3A_438 : i32 to index
      %get3A_440 = arith.constant 0 : index
      %get3A_441 = tpu.vector_load %arg11[%get3A_439, %get3A_440] {strides = array<i32>} : memref<512x32xbf16, #tpu.memory_space<vmem>>, vector<32xbf16>,
      %unpack3A_442 = tpu.unpack_subelements %get3A_441, 0 {pack_format = #tpu.pack_format<interleaved>} : vector<32xbf16> -> vector<16xf32>
      %unpack3A_443 = tpu.unpack_subelements %get3A_441, 1 {pack_format = #tpu.pack_format<interleaved>} : vector<32xbf16> -> vector<16xf32>
      %get3A_444 = arith.index_cast %add3A_438 : i32 to index
      %get3A_445 = arith.constant 0 : index
      %get3A_446 = tpu.vector_load %arg12[%get3A_444, %get3A_445] {strides = array<i32>} : memref<512x32xbf16, #tpu.memory_space<vmem>>, vector<32xbf16>,
      %unpack3A_447 = tpu.unpack_subelements %get3A_446, 0 {pack_format = #tpu.pack_format<interleaved>} : vector<32xbf16> -> vector<16xf32>
      %unpack3A_448 = tpu.unpack_subelements %get3A_446, 1 {pack_format = #tpu.pack_format<interleaved>} : vector<32xbf16> -> vector<16xf32>
      %mul3A_449 = arith.mulf %unpack3A_442, %unpack3A_447 : vector<16xf32>
      %mul3A_450 = arith.mulf %unpack3A_443, %unpack3A_448 : vector<16xf32>
      %add3A_451 = arith.addf %mul3A_449, %mul3A_450 : vector<16xf32>
      %swap3A_452 = arith.constant 136 : index
      %swap3A_453 = tpu.vector_load %arg16[%swap3A_452] {strides = array<i32>} : memref<272xf32, #tpu.memory_space<vmem>>, vector<16xf32>,
      tpu.vector_store %arg16[%swap3A_452], %add3A_451 {strides = array<i32>} : memref<272xf32, #tpu.memory_space<vmem>>, vector<16xf32>,
      %add3A_454 = arith.constant 9 : i32
      %add3A_455 = arith.addi %mul3A_303, %add3A_454 : i32
      %get3A_456 = arith.index_cast %add3A_455 : i32 to index
      %get3A_457 = arith.constant 0 : index
      %get3A_458 = tpu.vector_load %arg11[%get3A_456, %get3A_457] {strides = array<i32>} : memref<512x32xbf16, #tpu.memory_space<vmem>>, vector<32xbf16>,
      %unpack3A_459 = tpu.unpack_subelements %get3A_458, 0 {pack_format = #tpu.pack_format<interleaved>} : vector<32xbf16> -> vector<16xf32>
      %unpack3A_460 = tpu.unpack_subelements %get3A_458, 1 {pack_format = #tpu.pack_format<interleaved>} : vector<32xbf16> -> vector<16xf32>
      %get3A_461 = arith.index_cast %add3A_455 : i32 to index
      %get3A_462 = arith.constant 0 : index
      %get3A_463 = tpu.vector_load %arg12[%get3A_461, %get3A_462] {strides = array<i32>} : memref<512x32xbf16, #tpu.memory_space<vmem>>, vector<32xbf16>,
      %unpack3A_464 = tpu.unpack_subelements %get3A_463, 0 {pack_format = #tpu.pack_format<interleaved>} : vector<32xbf16> -> vector<16xf32>
      %unpack3A_465 = tpu.unpack_subelements %get3A_463, 1 {pack_format = #tpu.pack_format<interleaved>} : vector<32xbf16> -> vector<16xf32>
      %mul3A_466 = arith.mulf %unpack3A_459, %unpack3A_464 : vector<16xf32>
      %mul3A_467 = arith.mulf %unpack3A_460, %unpack3A_465 : vector<16xf32>
      %add3A_468 = arith.addf %mul3A_466, %mul3A_467 : vector<16xf32>
      %swap3A_469 = arith.constant 153 : index
      %swap3A_470 = tpu.vector_load %arg16[%swap3A_469] {strides = array<i32>} : memref<272xf32, #tpu.memory_space<vmem>>, vector<16xf32>,
      tpu.vector_store %arg16[%swap3A_469], %add3A_468 {strides = array<i32>} : memref<272xf32, #tpu.memory_space<vmem>>, vector<16xf32>,
      %add3A_471 = arith.constant 10 : i32
      %add3A_472 = arith.addi %mul3A_303, %add3A_471 : i32
      %get3A_473 = arith.index_cast %add3A_472 : i32 to index
      %get3A_474 = arith.constant 0 : index
      %get3A_475 = tpu.vector_load %arg11[%get3A_473, %get3A_474] {strides = array<i32>} : memref<512x32xbf16, #tpu.memory_space<vmem>>, vector<32xbf16>,
      %unpack3A_476 = tpu.unpack_subelements %get3A_475, 0 {pack_format = #tpu.pack_format<interleaved>} : vector<32xbf16> -> vector<16xf32>
      %unpack3A_477 = tpu.unpack_subelements %get3A_475, 1 {pack_format = #tpu.pack_format<interleaved>} : vector<32xbf16> -> vector<16xf32>
      %get3A_478 = arith.index_cast %add3A_472 : i32 to index
      %get3A_479 = arith.constant 0 : index
      %get3A_480 = tpu.vector_load %arg12[%get3A_478, %get3A_479] {strides = array<i32>} : memref<512x32xbf16, #tpu.memory_space<vmem>>, vector<32xbf16>,
      %unpack3A_481 = tpu.unpack_subelements %get3A_480, 0 {pack_format = #tpu.pack_format<interleaved>} : vector<32xbf16> -> vector<16xf32>
      %unpack3A_482 = tpu.unpack_subelements %get3A_480, 1 {pack_format = #tpu.pack_format<interleaved>} : vector<32xbf16> -> vector<16xf32>
      %mul3A_483 = arith.mulf %unpack3A_476, %unpack3A_481 : vector<16xf32>
      %mul3A_484 = arith.mulf %unpack3A_477, %unpack3A_482 : vector<16xf32>
      %add3A_485 = arith.addf %mul3A_483, %mul3A_484 : vector<16xf32>
      %swap3A_486 = arith.constant 170 : index
      %swap3A_487 = tpu.vector_load %arg16[%swap3A_486] {strides = array<i32>} : memref<272xf32, #tpu.memory_space<vmem>>, vector<16xf32>,
      tpu.vector_store %arg16[%swap3A_486], %add3A_485 {strides = array<i32>} : memref<272xf32, #tpu.memory_space<vmem>>, vector<16xf32>,
      %add3A_488 = arith.constant 11 : i32
      %add3A_489 = arith.addi %mul3A_303, %add3A_488 : i32
      %get3A_490 = arith.index_cast %add3A_489 : i32 to index
      %get3A_491 = arith.constant 0 : index
      %get3A_492 = tpu.vector_load %arg11[%get3A_490, %get3A_491] {strides = array<i32>} : memref<512x32xbf16, #tpu.memory_space<vmem>>, vector<32xbf16>,
      %unpack3A_493 = tpu.unpack_subelements %get3A_492, 0 {pack_format = #tpu.pack_format<interleaved>} : vector<32xbf16> -> vector<16xf32>
      %unpack3A_494 = tpu.unpack_subelements %get3A_492, 1 {pack_format = #tpu.pack_format<interleaved>} : vector<32xbf16> -> vector<16xf32>
      %get3A_495 = arith.index_cast %add3A_489 : i32 to index
      %get3A_496 = arith.constant 0 : index
      %get3A_497 = tpu.vector_load %arg12[%get3A_495, %get3A_496] {strides = array<i32>} : memref<512x32xbf16, #tpu.memory_space<vmem>>, vector<32xbf16>,
      %unpack3A_498 = tpu.unpack_subelements %get3A_497, 0 {pack_format = #tpu.pack_format<interleaved>} : vector<32xbf16> -> vector<16xf32>
      %unpack3A_499 = tpu.unpack_subelements %get3A_497, 1 {pack_format = #tpu.pack_format<interleaved>} : vector<32xbf16> -> vector<16xf32>
      %mul3A_500 = arith.mulf %unpack3A_493, %unpack3A_498 : vector<16xf32>
      %mul3A_501 = arith.mulf %unpack3A_494, %unpack3A_499 : vector<16xf32>
      %add3A_502 = arith.addf %mul3A_500, %mul3A_501 : vector<16xf32>
      %swap3A_503 = arith.constant 187 : index
      %swap3A_504 = tpu.vector_load %arg16[%swap3A_503] {strides = array<i32>} : memref<272xf32, #tpu.memory_space<vmem>>, vector<16xf32>,
      tpu.vector_store %arg16[%swap3A_503], %add3A_502 {strides = array<i32>} : memref<272xf32, #tpu.memory_space<vmem>>, vector<16xf32>,
      %add3A_505 = arith.constant 12 : i32
      %add3A_506 = arith.addi %mul3A_303, %add3A_505 : i32
      %get3A_507 = arith.index_cast %add3A_506 : i32 to index
      %get3A_508 = arith.constant 0 : index
      %get3A_509 = tpu.vector_load %arg11[%get3A_507, %get3A_508] {strides = array<i32>} : memref<512x32xbf16, #tpu.memory_space<vmem>>, vector<32xbf16>,
      %unpack3A_510 = tpu.unpack_subelements %get3A_509, 0 {pack_format = #tpu.pack_format<interleaved>} : vector<32xbf16> -> vector<16xf32>
      %unpack3A_511 = tpu.unpack_subelements %get3A_509, 1 {pack_format = #tpu.pack_format<interleaved>} : vector<32xbf16> -> vector<16xf32>
      %get3A_512 = arith.index_cast %add3A_506 : i32 to index
      %get3A_513 = arith.constant 0 : index
      %get3A_514 = tpu.vector_load %arg12[%get3A_512, %get3A_513] {strides = array<i32>} : memref<512x32xbf16, #tpu.memory_space<vmem>>, vector<32xbf16>,
      %unpack3A_515 = tpu.unpack_subelements %get3A_514, 0 {pack_format = #tpu.pack_format<interleaved>} : vector<32xbf16> -> vector<16xf32>
      %unpack3A_516 = tpu.unpack_subelements %get3A_514, 1 {pack_format = #tpu.pack_format<interleaved>} : vector<32xbf16> -> vector<16xf32>
      %mul3A_517 = arith.mulf %unpack3A_510, %unpack3A_515 : vector<16xf32>
      %mul3A_518 = arith.mulf %unpack3A_511, %unpack3A_516 : vector<16xf32>
      %add3A_519 = arith.addf %mul3A_517, %mul3A_518 : vector<16xf32>
      %swap3A_520 = arith.constant 204 : index
      %swap3A_521 = tpu.vector_load %arg16[%swap3A_520] {strides = array<i32>} : memref<272xf32, #tpu.memory_space<vmem>>, vector<16xf32>,
      tpu.vector_store %arg16[%swap3A_520], %add3A_519 {strides = array<i32>} : memref<272xf32, #tpu.memory_space<vmem>>, vector<16xf32>,
      %add3A_522 = arith.constant 13 : i32
      %add3A_523 = arith.addi %mul3A_303, %add3A_522 : i32
      %get3A_524 = arith.index_cast %add3A_523 : i32 to index
      %get3A_525 = arith.constant 0 : index
      %get3A_526 = tpu.vector_load %arg11[%get3A_524, %get3A_525] {strides = array<i32>} : memref<512x32xbf16, #tpu.memory_space<vmem>>, vector<32xbf16>,
      %unpack3A_527 = tpu.unpack_subelements %get3A_526, 0 {pack_format = #tpu.pack_format<interleaved>} : vector<32xbf16> -> vector<16xf32>
      %unpack3A_528 = tpu.unpack_subelements %get3A_526, 1 {pack_format = #tpu.pack_format<interleaved>} : vector<32xbf16> -> vector<16xf32>
      %get3A_529 = arith.index_cast %add3A_523 : i32 to index
      %get3A_530 = arith.constant 0 : index
      %get3A_531 = tpu.vector_load %arg12[%get3A_529, %get3A_530] {strides = array<i32>} : memref<512x32xbf16, #tpu.memory_space<vmem>>, vector<32xbf16>,
      %unpack3A_532 = tpu.unpack_subelements %get3A_531, 0 {pack_format = #tpu.pack_format<interleaved>} : vector<32xbf16> -> vector<16xf32>
      %unpack3A_533 = tpu.unpack_subelements %get3A_531, 1 {pack_format = #tpu.pack_format<interleaved>} : vector<32xbf16> -> vector<16xf32>
      %mul3A_534 = arith.mulf %unpack3A_527, %unpack3A_532 : vector<16xf32>
      %mul3A_535 = arith.mulf %unpack3A_528, %unpack3A_533 : vector<16xf32>
      %add3A_536 = arith.addf %mul3A_534, %mul3A_535 : vector<16xf32>
      %swap3A_537 = arith.constant 221 : index
      %swap3A_538 = tpu.vector_load %arg16[%swap3A_537] {strides = array<i32>} : memref<272xf32, #tpu.memory_space<vmem>>, vector<16xf32>,
      tpu.vector_store %arg16[%swap3A_537], %add3A_536 {strides = array<i32>} : memref<272xf32, #tpu.memory_space<vmem>>, vector<16xf32>,
      %add3A_539 = arith.constant 14 : i32
      %add3A_540 = arith.addi %mul3A_303, %add3A_539 : i32
      %get3A_541 = arith.index_cast %add3A_540 : i32 to index
      %get3A_542 = arith.constant 0 : index
      %get3A_543 = tpu.vector_load %arg11[%get3A_541, %get3A_542] {strides = array<i32>} : memref<512x32xbf16, #tpu.memory_space<vmem>>, vector<32xbf16>,
      %unpack3A_544 = tpu.unpack_subelements %get3A_543, 0 {pack_format = #tpu.pack_format<interleaved>} : vector<32xbf16> -> vector<16xf32>
      %unpack3A_545 = tpu.unpack_subelements %get3A_543, 1 {pack_format = #tpu.pack_format<interleaved>} : vector<32xbf16> -> vector<16xf32>
      %get3A_546 = arith.index_cast %add3A_540 : i32 to index
      %get3A_547 = arith.constant 0 : index
      %get3A_548 = tpu.vector_load %arg12[%get3A_546, %get3A_547] {strides = array<i32>} : memref<512x32xbf16, #tpu.memory_space<vmem>>, vector<32xbf16>,
      %unpack3A_549 = tpu.unpack_subelements %get3A_548, 0 {pack_format = #tpu.pack_format<interleaved>} : vector<32xbf16> -> vector<16xf32>
      %unpack3A_550 = tpu.unpack_subelements %get3A_548, 1 {pack_format = #tpu.pack_format<interleaved>} : vector<32xbf16> -> vector<16xf32>
      %mul3A_551 = arith.mulf %unpack3A_544, %unpack3A_549 : vector<16xf32>
      %mul3A_552 = arith.mulf %unpack3A_545, %unpack3A_550 : vector<16xf32>
      %add3A_553 = arith.addf %mul3A_551, %mul3A_552 : vector<16xf32>
      %swap3A_554 = arith.constant 238 : index
      %swap3A_555 = tpu.vector_load %arg16[%swap3A_554] {strides = array<i32>} : memref<272xf32, #tpu.memory_space<vmem>>, vector<16xf32>,
      tpu.vector_store %arg16[%swap3A_554], %add3A_553 {strides = array<i32>} : memref<272xf32, #tpu.memory_space<vmem>>, vector<16xf32>,
      %add3A_556 = arith.constant 15 : i32
      %add3A_557 = arith.addi %mul3A_303, %add3A_556 : i32
      %get3A_558 = arith.index_cast %add3A_557 : i32 to index
      %get3A_559 = arith.constant 0 : index
      %get3A_560 = tpu.vector_load %arg11[%get3A_558, %get3A_559] {strides = array<i32>} : memref<512x32xbf16, #tpu.memory_space<vmem>>, vector<32xbf16>,
      %unpack3A_561 = tpu.unpack_subelements %get3A_560, 0 {pack_format = #tpu.pack_format<interleaved>} : vector<32xbf16> -> vector<16xf32>
      %unpack3A_562 = tpu.unpack_subelements %get3A_560, 1 {pack_format = #tpu.pack_format<interleaved>} : vector<32xbf16> -> vector<16xf32>
      %get3A_563 = arith.index_cast %add3A_557 : i32 to index
      %get3A_564 = arith.constant 0 : index
      %get3A_565 = tpu.vector_load %arg12[%get3A_563, %get3A_564] {strides = array<i32>} : memref<512x32xbf16, #tpu.memory_space<vmem>>, vector<32xbf16>,
      %unpack3A_566 = tpu.unpack_subelements %get3A_565, 0 {pack_format = #tpu.pack_format<interleaved>} : vector<32xbf16> -> vector<16xf32>
      %unpack3A_567 = tpu.unpack_subelements %get3A_565, 1 {pack_format = #tpu.pack_format<interleaved>} : vector<32xbf16> -> vector<16xf32>
      %mul3A_568 = arith.mulf %unpack3A_561, %unpack3A_566 : vector<16xf32>
      %mul3A_569 = arith.mulf %unpack3A_562, %unpack3A_567 : vector<16xf32>
      %add3A_570 = arith.addf %mul3A_568, %mul3A_569 : vector<16xf32>
      %swap3A_571 = arith.constant 255 : index
      %swap3A_572 = tpu.vector_load %arg16[%swap3A_571] {strides = array<i32>} : memref<272xf32, #tpu.memory_space<vmem>>, vector<16xf32>,
      tpu.vector_store %arg16[%swap3A_571], %add3A_570 {strides = array<i32>} : memref<272xf32, #tpu.memory_space<vmem>>, vector<16xf32>,
      %get3A_573 = arith.index_cast %mul3A_303 : i32 to index
      %get3A_574 = tpu.vector_load %arg13[%get3A_573] {strides = array<i32>} : memref<512xf32, #tpu.memory_space<vmem>>, vector<16xf32>,
      %get3A_575 = arith.index_cast %mul3A_303 : i32 to index
      %get3A_576 = tpu.vector_load %arg14[%get3A_575] {strides = array<i32>} : memref<512xf32, #tpu.memory_space<vmem>>, vector<16xf32>,
      %add3A_577 = arith.addf %get3A_574, %get3A_576 : vector<16xf32>
      %add3A_578 = arith.constant 0 : i32
      %add3A_579 = vector.broadcast %add3A_578 : i32 to vector<16xi32>
      %add3A_580 = arith.addi %mul3A_293, %add3A_579 : vector<16xi32>
      %gather3A = tpu.vector_load_idx %arg16[%add3A_580] : memref<272xf32, #tpu.memory_space<vmem>>[vector<16xi32>], vector<16xf32>,
      %add3A_581 = arith.addf %add3A_577, %gather3A : vector<16xf32>
      %add3A_582 = arith.constant 1 : i32
      %add3A_583 = vector.broadcast %add3A_582 : i32 to vector<16xi32>
      %add3A_584 = arith.addi %mul3A_293, %add3A_583 : vector<16xi32>
      %gather3A_585 = tpu.vector_load_idx %arg16[%add3A_584] : memref<272xf32, #tpu.memory_space<vmem>>[vector<16xi32>], vector<16xf32>,
      %add3A_586 = arith.addf %add3A_581, %gather3A_585 : vector<16xf32>
      %add3A_587 = arith.constant 2 : i32
      %add3A_588 = vector.broadcast %add3A_587 : i32 to vector<16xi32>
      %add3A_589 = arith.addi %mul3A_293, %add3A_588 : vector<16xi32>
      %gather3A_590 = tpu.vector_load_idx %arg16[%add3A_589] : memref<272xf32, #tpu.memory_space<vmem>>[vector<16xi32>], vector<16xf32>,
      %add3A_591 = arith.addf %add3A_586, %gather3A_590 : vector<16xf32>
      %add3A_592 = arith.constant 3 : i32
      %add3A_593 = vector.broadcast %add3A_592 : i32 to vector<16xi32>
      %add3A_594 = arith.addi %mul3A_293, %add3A_593 : vector<16xi32>
      %gather3A_595 = tpu.vector_load_idx %arg16[%add3A_594] : memref<272xf32, #tpu.memory_space<vmem>>[vector<16xi32>], vector<16xf32>,
      %add3A_596 = arith.addf %add3A_591, %gather3A_595 : vector<16xf32>
      %add3A_597 = arith.constant 4 : i32
      %add3A_598 = vector.broadcast %add3A_597 : i32 to vector<16xi32>
      %add3A_599 = arith.addi %mul3A_293, %add3A_598 : vector<16xi32>
      %gather3A_600 = tpu.vector_load_idx %arg16[%add3A_599] : memref<272xf32, #tpu.memory_space<vmem>>[vector<16xi32>], vector<16xf32>,
      %add3A_601 = arith.addf %add3A_596, %gather3A_600 : vector<16xf32>
      %add3A_602 = arith.constant 5 : i32
      %add3A_603 = vector.broadcast %add3A_602 : i32 to vector<16xi32>
      %add3A_604 = arith.addi %mul3A_293, %add3A_603 : vector<16xi32>
      %gather3A_605 = tpu.vector_load_idx %arg16[%add3A_604] : memref<272xf32, #tpu.memory_space<vmem>>[vector<16xi32>], vector<16xf32>,
      %add3A_606 = arith.addf %add3A_601, %gather3A_605 : vector<16xf32>
      %add3A_607 = arith.constant 6 : i32
      %add3A_608 = vector.broadcast %add3A_607 : i32 to vector<16xi32>
      %add3A_609 = arith.addi %mul3A_293, %add3A_608 : vector<16xi32>
      %gather3A_610 = tpu.vector_load_idx %arg16[%add3A_609] : memref<272xf32, #tpu.memory_space<vmem>>[vector<16xi32>], vector<16xf32>,
      %add3A_611 = arith.addf %add3A_606, %gather3A_610 : vector<16xf32>
      %add3A_612 = arith.constant 7 : i32
      %add3A_613 = vector.broadcast %add3A_612 : i32 to vector<16xi32>
      %add3A_614 = arith.addi %mul3A_293, %add3A_613 : vector<16xi32>
      %gather3A_615 = tpu.vector_load_idx %arg16[%add3A_614] : memref<272xf32, #tpu.memory_space<vmem>>[vector<16xi32>], vector<16xf32>,
      %add3A_616 = arith.addf %add3A_611, %gather3A_615 : vector<16xf32>
      %add3A_617 = arith.constant 8 : i32
      %add3A_618 = vector.broadcast %add3A_617 : i32 to vector<16xi32>
      %add3A_619 = arith.addi %mul3A_293, %add3A_618 : vector<16xi32>
      %gather3A_620 = tpu.vector_load_idx %arg16[%add3A_619] : memref<272xf32, #tpu.memory_space<vmem>>[vector<16xi32>], vector<16xf32>,
      %add3A_621 = arith.addf %add3A_616, %gather3A_620 : vector<16xf32>
      %add3A_622 = arith.constant 9 : i32
      %add3A_623 = vector.broadcast %add3A_622 : i32 to vector<16xi32>
      %add3A_624 = arith.addi %mul3A_293, %add3A_623 : vector<16xi32>
      %gather3A_625 = tpu.vector_load_idx %arg16[%add3A_624] : memref<272xf32, #tpu.memory_space<vmem>>[vector<16xi32>], vector<16xf32>,
      %add3A_626 = arith.addf %add3A_621, %gather3A_625 : vector<16xf32>
      %add3A_627 = arith.constant 10 : i32
      %add3A_628 = vector.broadcast %add3A_627 : i32 to vector<16xi32>
      %add3A_629 = arith.addi %mul3A_293, %add3A_628 : vector<16xi32>
      %gather3A_630 = tpu.vector_load_idx %arg16[%add3A_629] : memref<272xf32, #tpu.memory_space<vmem>>[vector<16xi32>], vector<16xf32>,
      %add3A_631 = arith.addf %add3A_626, %gather3A_630 : vector<16xf32>
      %add3A_632 = arith.constant 11 : i32
      %add3A_633 = vector.broadcast %add3A_632 : i32 to vector<16xi32>
      %add3A_634 = arith.addi %mul3A_293, %add3A_633 : vector<16xi32>
      %gather3A_635 = tpu.vector_load_idx %arg16[%add3A_634] : memref<272xf32, #tpu.memory_space<vmem>>[vector<16xi32>], vector<16xf32>,
      %add3A_636 = arith.addf %add3A_631, %gather3A_635 : vector<16xf32>
      %add3A_637 = arith.constant 12 : i32
      %add3A_638 = vector.broadcast %add3A_637 : i32 to vector<16xi32>
      %add3A_639 = arith.addi %mul3A_293, %add3A_638 : vector<16xi32>
      %gather3A_640 = tpu.vector_load_idx %arg16[%add3A_639] : memref<272xf32, #tpu.memory_space<vmem>>[vector<16xi32>], vector<16xf32>,
      %add3A_641 = arith.addf %add3A_636, %gather3A_640 : vector<16xf32>
      %add3A_642 = arith.constant 13 : i32
      %add3A_643 = vector.broadcast %add3A_642 : i32 to vector<16xi32>
      %add3A_644 = arith.addi %mul3A_293, %add3A_643 : vector<16xi32>
      %gather3A_645 = tpu.vector_load_idx %arg16[%add3A_644] : memref<272xf32, #tpu.memory_space<vmem>>[vector<16xi32>], vector<16xf32>,
      %add3A_646 = arith.addf %add3A_641, %gather3A_645 : vector<16xf32>
      %add3A_647 = arith.constant 14 : i32
      %add3A_648 = vector.broadcast %add3A_647 : i32 to vector<16xi32>
      %add3A_649 = arith.addi %mul3A_293, %add3A_648 : vector<16xi32>
      %gather3A_650 = tpu.vector_load_idx %arg16[%add3A_649] : memref<272xf32, #tpu.memory_space<vmem>>[vector<16xi32>], vector<16xf32>,
      %add3A_651 = arith.addf %add3A_646, %gather3A_650 : vector<16xf32>
      %add3A_652 = arith.constant 15 : i32
      %add3A_653 = vector.broadcast %add3A_652 : i32 to vector<16xi32>
      %add3A_654 = arith.addi %mul3A_293, %add3A_653 : vector<16xi32>
      %gather3A_655 = tpu.vector_load_idx %arg16[%add3A_654] : memref<272xf32, #tpu.memory_space<vmem>>[vector<16xi32>], vector<16xf32>,
      %add3A_656 = arith.addf %add3A_651, %gather3A_655 : vector<16xf32>
      %swap3A_657 = arith.index_cast %mul3A_303 : i32 to index
      %swap3A_658 = tpu.vector_load %arg15[%swap3A_657] {strides = array<i32>} : memref<512xf32, #tpu.memory_space<vmem>>, vector<16xf32>,
      tpu.vector_store %arg15[%swap3A_657], %add3A_656 {strides = array<i32>} : memref<512xf32, #tpu.memory_space<vmem>>, vector<16xf32>,
      %scan3A_659 = arith.constant 0 : i32
      scf.yield %scan3A_659 : i32
    }
    %scan3A_299 = arith.constant 32 : i32
    "tpu.region"() ({
      %run_scoped3A = tpu.sem_alloc : memref<!tpu.dma_semaphore, #tpu.memory_space<semaphore_mem>>
      %dma_start3A_300 = tpu.memref_slice %arg8[%mul3A_2] : memref<16384xf32, #tpu.memory_space<hbm>> -> memref<512xf32, #tpu.memory_space<hbm>>
      %dma_start3A_301 = tpu.memref_slice %arg8[%mul3A_2] : memref<16384xf32, #tpu.memory_space<hbm>> -> memref<512xf32, #tpu.memory_space<hbm>>
      tpu.enqueue_dma source(%arg15 : memref<512xf32, #tpu.memory_space<vmem>>) target(%dma_start3A_301 : memref<512xf32, #tpu.memory_space<hbm>>) target_semaphore(%run_scoped3A : memref<!tpu.dma_semaphore, #tpu.memory_space<semaphore_mem>>)
      %dma_wait3A_302 = tpu.memref_slice %arg8[%mul3A_2] : memref<16384xf32, #tpu.memory_space<hbm>> -> memref<512xf32, #tpu.memory_space<hbm>>
      %dma_wait3A_303 = tpu.memref_slice %arg8[%mul3A_2] : memref<16384xf32, #tpu.memory_space<hbm>> -> memref<512xf32, #tpu.memory_space<hbm>>
      tpu.wait_dma2 semaphore(%run_scoped3A : memref<!tpu.dma_semaphore, #tpu.memory_space<semaphore_mem>>) src(%arg15 : memref<512xf32, #tpu.memory_space<vmem>>) dst(%dma_wait3A_303 : memref<512xf32, #tpu.memory_space<hbm>>)
      tpu.yield
    }) : () -> ()
    return
  }
}

</mosaic_0001>

<sc_bundles>
// kernel: _run.3.cloned.1.call-start
scs
__scs_entry_jumppad:
0x0: {  	(pc) =	sbr.rel $0x88, $3  }
0x1: {  	(tag) =	ssettag $0x0;
	lr =	simm.s32 $0x1  }
0x2: {  	[smem:$0x3F9B] =	sst lr;
	_ =	strace $0xD0000000  }
0x3: {  	_ = 	snop  }
0x4: {  	_ = 	snop  }
0x5: {  	_ = 	snop  }
0x6: {  	_ = 	snop  }
0x7: {  	_ = 	snop  }
__scs_overlays_trampoline_lowered:
0x8: {  	[smem:$0x3FAA] =	sst s0  }
0x9: {  	[smem:$0x3FAB] =	sst s1  }
0xa: {  	[smem:$0x3FAC] =	sst s2  }
0xb: {  	[smem:$0x3FAD] =	sst s3  }
0xc: {  	[smem:$0x3FAE] =	sst s4  }
0xd: {  	[smem:$0x3FAF] =	sst s5  }
0xe: {  	[smem:$0x3FB0] =	sst s6  }
0xf: {  	[smem:$0x3FB1] =	sst s7  }
0x10: {  	[smem:$0x3FB2] =	sst s8  }
0x11: {  	[smem:$0x3FB3] =	sst s9;
	s0 =	simm.s32 @!p0 $0x0  }
0x12: {  	s1 =	sld [smem:$0x3F99];
	s0 =	simm.s32 @p0 $0x1  }
0x13: {  	[smem:$0x3FB4] =	sst s0;
	s0 =	simm.s32 @!p1 $0x0  }
0x14: {  	s2 =	sld [smem:$0x3F98];
	s0 =	simm.s32 @p1 $0x1  }
0x15: {  	[smem:$0x3FB5] =	sst s0;
	s0 =	simm.s32 @!p2 $0x0  }
0x16: {  	s3 =	sld [smem:$0x3FDB];
	s0 =	simm.s32 @p2 $0x1  }
0x17: {  	s4 =	simm.s32 $0x1BF5;
	[smem:$0x3FB7] =	sst s0  }
0x18: {  	s0 =	sld [smem:$0x3F9A];
	_ =	swait.ge [sflag:s4], $0x0  }
0x19: {  	s7 =	sld [smem:$0x3F9B]  }
0x1a: {  	s8 =	sadd.s32 $0xFFFFE003, lr  }
0x1b: {  	s9 =	sadd.s32 $0xFFFFFEF7, lr;
	s5 =	simm.s32 $0xFFFFFFFF;
	p2 =	slt.u32 s8, $0xFFFFF086  }
0x1c: {  	p1 =	slt.u32 s9, $0xF7A;
	s5 =	simm.s32 @!p2 $0x0  }
0x1d: {  	s5 =	simm.s32 @p1 $0x1;
	p0 =	seq.s32 s7, s2  }
0x1e: {  	s7 =	smul.u32 @!p0 $0xF7A, s2;
	p2 =	seq.s32 @!p0 s5, $0x0  }
0x1f: {  	s9 =	smul.u32 $0xF7A, s1;
	s8 =	simm.s32 @!p0 $0x1BF5;
	p2 =	por !p2, p0  }
0x20: {  	[sflag:s8] =	ssyncset.s32 @!p0 $0xFFFFF086;
	s6 =	sadd.s32 @!p0 s3, s7;
	s7 =	simm.s32 @!p0 $0x108  }
0x21: {  	s3 =	sadd.s32 s3, s9;
	s6 =	sadd.s32 @!p0 $0x88, s6;
	s7 =	simm.s32 @p2 $0x1082  }
0x22: {  	[simem:s7], [sflag:s8] =	dma.local @!p0 [hbm:s6], $0xF7A  }
0x23: {  	s9 =	sor.u32 $0xD0000000, s2;
	s6 =	simm.s32 $0x108;
	_ =	swait.ge @!p0 [sflag:s8], $0x0  }
0x24: {  	s3 =	sadd.s32 $0x88, s3;
	s6 =	simm.s32 @!p1 $0x1082;
	[sflag:s4] =	ssyncset.s32 $0xFFFFF086  }
0x25: {  	[simem:s6], [sflag:s4] =	dma.local [hbm:s3], $0xF7A  }
0x26: {  	[smem:$0x3F9B] =	sst s1;
	(tag) =	ssettag s2;
	_ =	strace s9  }
0x27: {  	s1 =	sld [smem:$0x3FAB]  }
0x28: {  	s2 =	sld [smem:$0x3FAC]  }
0x29: {  	s4 =	sld [smem:$0x3FAE]  }
0x2a: {  	p0 =	seq.s32 s5, $0x0;
	s5 =	sld [smem:$0x3FAF]  }
0x2b: {  	s6 =	sld [smem:$0x3FB0]  }
0x2c: {  	s7 =	sld [smem:$0x3FB1]  }
0x2d: {  	s3 =	simm.s32 $0x108;
	s8 =	sld [smem:$0x3FB2]  }
0x2e: {  	s3 =	simm.s32 @!p0 $0x1082;
	s9 =	sld [smem:$0x3FB3]  }
0x2f: {  	lr =	sadd.s32 s0, s3;
	s0 =	sld [smem:$0x3FAA]  }
0x30: {  	s3 =	sld [smem:$0x3FAD]  }
0x31: {  	[smem:$0x3FB6] =	sst s10  }
0x32: {  	s10 =	sld [smem:$0x3FB4];
	_ =	sdelay $0x3  }
0x33: {  	p0 =	seq.s32 s10, $0x1;
	s10 =	sld [smem:$0x3FB6];
	_ =	sdelay $0x3  }
0x34: {  	[smem:$0x3FB6] =	sst s10  }
0x35: {  	s10 =	sld [smem:$0x3FB5];
	_ =	sdelay $0x3  }
0x36: {  	p1 =	seq.s32 s10, $0x1;
	s10 =	sld [smem:$0x3FB6];
	_ =	sdelay $0x3  }
0x37: {  	[smem:$0x3FB6] =	sst s10  }
0x38: {  	s10 =	sld [smem:$0x3FB7]  }
0x39: {  	_ = 	snop;
	(pc) =	sbr.ind lr, $3  }
0x3a: {  	_ = 	snop  }
0x3b: {  	_ = 	snop  }
0x3c: {  	p2 =	seq.s32 s10, $0x1;
	s10 =	sld [smem:$0x3FB6]  }
0x3d: {  	_ =	shalt  }
0x3e: {  	_ =	shalt  }
0x3f: {  	_ =	shalt  }
0x40: {  	_ =	shalt  }
0x41: {  	_ =	shalt  }
0x42: {  	_ =	shalt  }
0x43: {  	_ =	shalt  }
0x44: {  	_ =	shalt  }
0x45: {  	_ =	shalt  }
0x46: {  	_ =	shalt  }
0x47: {  	_ =	shalt  }
0x48: {  	_ =	shalt  }
0x49: {  	_ =	shalt  }
0x4a: {  	_ =	shalt  }
0x4b: {  	_ =	shalt  }
0x4c: {  	_ =	shalt  }
0x4d: {  	_ =	shalt  }
0x4e: {  	_ =	shalt  }
0x4f: {  	_ =	shalt  }
0x50: {  	_ =	shalt  }
0x51: {  	_ =	shalt  }
0x52: {  	_ =	shalt  }
0x53: {  	_ =	shalt  }
0x54: {  	_ =	shalt  }
0x55: {  	_ =	shalt  }
0x56: {  	_ =	shalt  }
0x57: {  	_ =	shalt  }
0x58: {  	_ =	shalt  }
0x59: {  	_ =	shalt  }
0x5a: {  	_ =	shalt  }
0x5b: {  	_ =	shalt  }
0x5c: {  	_ =	shalt  }
0x5d: {  	_ =	shalt  }
0x5e: {  	_ =	shalt  }
0x5f: {  	_ =	shalt  }
0x60: {  	_ =	shalt  }
0x61: {  	_ =	shalt  }
0x62: {  	_ =	shalt  }
0x63: {  	_ =	shalt  }
0x64: {  	_ =	shalt  }
0x65: {  	_ =	shalt  }
0x66: {  	_ =	shalt  }
0x67: {  	_ =	shalt  }
0x68: {  	_ =	shalt  }
0x69: {  	_ =	shalt  }
0x6a: {  	_ =	shalt  }
0x6b: {  	_ =	shalt  }
0x6c: {  	_ =	shalt  }
0x6d: {  	_ =	shalt  }
0x6e: {  	_ =	shalt  }
0x6f: {  	_ =	shalt  }
0x70: {  	_ =	shalt  }
0x71: {  	_ =	shalt  }
0x72: {  	_ =	shalt  }
0x73: {  	_ =	shalt  }
0x74: {  	_ =	shalt  }
0x75: {  	_ =	shalt  }
0x76: {  	_ =	shalt  }
0x77: {  	_ =	shalt  }
0x78: {  	_ =	shalt  }
0x79: {  	_ =	shalt  }
0x7a: {  	_ =	shalt  }
0x7b: {  	_ =	shalt  }
0x7c: {  	_ =	shalt  }
0x7d: {  	_ =	shalt  }
0x7e: {  	_ =	shalt  }
0x7f: {  	_ =	shalt  }
0x80: {  	_ =	shalt  }
0x81: {  	_ =	shalt  }
0x82: {  	_ =	shalt  }
0x83: {  	_ =	shalt  }
0x84: {  	_ =	shalt  }
0x85: {  	_ =	shalt  }
0x86: {  	_ =	shalt  }
0x87: {  	_ =	shalt  }
.Lfunc_end0:
.L_simem_size_0:
called_computation.2_lowered:
.L_overlay_start_0:
0x88: {  	s2 =	sld [smem:$0x3FD9]  }
0x89: {  	s3 =	sld [smem:$0x3FFE];
	_ =	sdelay $0x1  }
0x8a: {  	s1 =	srdreg.scid  }
0x8b: {  	s0 =	sand.u32 $0x1, s1  }
0x8c: {  	s17 =	sshll.u32 s0, $0xA;
	s2 =	sadd.s32 s3, s2  }
0x8d: {  	s2 =	sadd.s32 s2, s17  }
0x8e: {  	[smem:$0x3FC2] =	sst s2  }
0x8f: {  	_ = 	snop  }
0x90: {  	s2 =	sld [smem:$0x3FC9]  }
0x91: {  	s18 =	sld [smem:$0x3FC8]  }
0x92: {  	s4 =	sld [smem:$0x3FC5]  }
0x93: {  	s5 =	sld [smem:$0x3FC4]  }
0x94: {  	s6 =	sld [smem:$0x3FD0];
	(tm) =	ssettm $0x1  }
0x95: {  	s7 =	sld [smem:$0x3FFB];
	_ =	sdelay $0x3  }
0x96: {  	_ =	strace s7  }
0x97: {  	s7 =	sld [smem:$0x3FFC];
	_ =	sdelay $0x3  }
0x98: {  	_ =	strace s7  }
0x99: {  	s7 =	sld [smem:$0x3FFD];
	_ =	sdelay $0x3  }
0x9a: {  	_ =	strace s7  }
0x9b: {  	_ =	strace $0x8FFFFFFF  }
0x9c: {  	s19 =	sld [smem:$0x3FDB];
	_ =	sdelay $0x1  }
0x9d: {  	s8 =	simm.s32 $_scs_section_size  }
0x9e: {  	s9 =	simm.s32 $_size__tile_overlayer_lowered;
	s10 =	simm.s32 $_tile_overlayer_lowered  }
0x9f: {  	s22 =	simm.s32 $0x1BFF;
	s21 =	sshll.u32 s10, $0x1;
	s7 =	sadd.s32 s8, s19  }
0xa0: {  	s11 =	simm.s32 $0x0;
	s20 =	sshll.u32 s9, $0x1;
	s9 =	sadd.s32 s21, s7  }
0xa1: {  	[timem:s11], [sflag:s22] =	dma.local [hbm:s9], s20  }
0xa2: {  	_ =	swait.ge [sflag:s22], s20  }
0xa3: {  	s8 =	ssub.s32 $0x0, s20;
	[sflag:s22] =	ssyncset.done $0x0  }
0xa4: {  	[sflag:s22] =	ssyncadd.s32 s8;
	_ =	sdelay $0x1  }
0xa5: {  	s23 =	simm.s32 $0x1B8B  }
0xa6: {  	_ =	swait.ge [sflag:s23], $0x1  }
0xa7: {  	[sflag:s23] =	ssyncset.done $0x0  }
0xa8: {  	s25 =	simm.s32 $0x1B8E;
	s24 =	sld [smem:$0x3FFE];
	[sflag:s23] =	ssyncadd.s32 $0xFFFFFFFF  }
0xa9: {  	s26 =	simm.s32 $execute0_lowered;
	[smem:$0x3FD2] =	sst s25  }
0xaa: {  	s9 =	sshll.u32 s26, $0x1;
	_ =	strace $0x8000004C;
	[dreg:$0x1] =	wrdreg $0xFFFFFFFF  }
0xab: {  	s28 =	simm.s32 $_size_execute0_lowered;
	s7 =	sadd.s32 s7, s9;
	[dreg:$0x0] =	wrdreg $0x0  }
0xac: {  	s9 =	sshll.u32 s28, $0x1;
	[dreg:$0x2] =	wrdreg s7  }
0xad: {  	[dreg:$0x3] =	wrdreg s9  }
0xae: {  	[dreg:$0x4] =	wrdreg $0xC0  }
0xaf: {  	_ =	task [dreg:s11], $0x5FFFF  }
0xb0: {  	[dreg:$0x1] =	wrdreg $0xFFFFFFFF  }
0xb1: {  	[dreg:$0x0] =	wrdreg $0x60  }
0xb2: {  	[dreg:$0x2] =	wrdreg s2  }
0xb3: {  	[dreg:$0x3] =	wrdreg s18  }
0xb4: {  	[dreg:$0x4] =	wrdreg s24  }
0xb5: {  	[dreg:$0x5] =	wrdreg s4  }
0xb6: {  	[dreg:$0x6] =	wrdreg s5  }
0xb7: {  	[dreg:$0x7] =	wrdreg s6  }
0xb8: {  	[dreg:$0x8] =	wrdreg $0x9  }
0xb9: {  	_ =	task.clear_ibuf [dreg:s11], $0x9FFFF;
	_ =	strace $0x9000004C  }
0xba: {  	s29 =	simm.s32 $0x9;
	_ =	strace $0x8000004E  }
0xbb: {  	_ =	swait.ge [sflag:s29], $0x1  }
0xbc: {  	[sflag:s29] =	ssyncadd.s32 $0xFFFFFFFF  }
0xbd: {  	_ =	strace $0x9000004E  }
0xbe: {  	_ =	sfence  }
0xbf: {  	s30 =	sld [smem:$0x0];
	_ =	sdelay $0x2  }
0xc0: {  	s31 =	sshll.u32 s1, $0xD;
	s1 =	sshrl.u32 s1, $0x2  }
0xc1: {  	s3 =	sand.u32 $0x4000, s31;
	s1 =	sadd.s32 s1, s30  }
0xc2: {  	s0 =	sor.u32 s3, s0;
	s1 =	sshll.u32 s1, $0x11  }
0xc3: {  	s0 =	sor.u32 s1, s0  }
0xc4: {  	s0 =	sadd.s32 $0x8F2B, s0  }
0xc5: {  	[sflag:s0] =	ssyncadd.remote.s32 $0x1  }
0xc6: {  	_ =	sfence.sel $0xFFFF  }
0xc7: {  	[dreg:$0x0] =	wrdreg $0xFFFFFFFF;
	(pc) =	sbr.abs _section_cstart, $3  }
0xc8: {  	[dreg:$0x1] =	wrdreg $0xFFFFFFFF  }
0xc9: {  	_ =	task.clear_ibuf [dreg:s11], $0x2FFFF;
	_ =	strace $0x9FFFFFFF  }
0xca: {  	(tm) =	ssettm $0x7FFFFFFF  }
0xcb: {  	_ =	shalt  }
tec
execute0_lowered:
.L_overlay_start_1:
0x0: {  	(tag) =	ssettag $0x1  }
0x1: {  	s0 =	rddreg [dreg:$0x0]  }
0x2: {  	s4 =	rddreg [dreg:$0x1]  }
0x3: {  	s6 =	rddreg [dreg:$0x2]  }
0x4: {  	s1 =	rddreg [dreg:$0x3]  }
0x5: {  	s2 =	rddreg [dreg:$0x4]  }
0x6: {  	s9 =	rddreg [dreg:$0x5];
	s3 =	simm.s32 $0x0;
	s7 =	srdreg.scid  }
0x7: {  	s10 =	stileid.u32;
	s12 =	simm.s32 $0x200;
	s13 =	simm.s32 $0x80  }
0x8: {  	s19 =	simm.s32 $0x280;
	s23 =	simm.s32 $0x100;
	s25 =	simm.s32 $0x300  }
0x9: {  	v0 =	vlaneseq.u32;
	s30 =	simm.s32 $0x180;
	s14 =	simm.s32 $0x4580;
	s15 =	simm.s32 $0x4780  }
0xa: {  	s16 =	simm.s32 $0x1;
	s17 =	simm.s32 $0x4A00;
	s18 =	simm.s32 $0x4800;
	v0 =	vmul.u32 $0x11, v0  }
0xb: {  	s20 =	simm.s32 $0x0;
	[smem:$0x7FF] =	sst s3;
	s7 =	sand.u32 $0x1, s7  }
0xc: {  	s5 =	sadd.s32 $0x1E9200, s6;
	s10 =	sshll.u32 s10, $0x7;
	s8 =	ssub.s32 $0x2, s7;
	v1 =	vadd.s32 $0x1, v0;
	v2 =	vadd.s32 $0x2, v0;
	v3 =	vadd.s32 $0x3, v0  }
0xd: {  	s6 =	sadd.s32 $0x5B9E00, s6;
	s7 =	sshll.u32 s7, $0x6;
	s11 =	sshrl.u32 s8, $0x1;
	v4 =	vadd.s32 $0x4, v0;
	v5 =	vadd.s32 $0x5, v0;
	v6 =	vadd.s32 $0x6, v0  }
0xe: {  	_ =	strace $0x8000004D;
	s10 =	sor.u32 s7, s10;
	v7 =	vadd.s32 $0x7, v0;
	v8 =	vadd.s32 $0x8, v0;
	v9 =	vadd.s32 $0x9, v0;
	s11 =	ssub.s32 s8, s11  }
0xf: {  	v10 =	vadd.s32 $0xA, v0;
	v11 =	vadd.s32 $0xB, v0;
	v12 =	vadd.s32 $0xC, v0;
	s7 =	sadd.s32 s0, s10;
	s8 =	sadd.s32 s4, s10;
	s9 =	sadd.s32 s9, s10  }
0x10: {  	v13 =	vadd.s32 $0xD, v0;
	v14 =	vadd.s32 $0xE, v0;
	v15 =	vadd.s32 $0xF, v0;
	s0 =	simm.s32 $0x380;
	s10 =	smax.u32 s11, $0x1;
	s11 =	simm.s32 $0x2  }
.LBB2_1:
0x11: {  	[tilespmem:s3], [sflag:$0x2] =	stream.linear.gather [hbm4b:s7+s3], $0x200, $0x38;
	[tilespmem:$0x4B10] =	vst v63  }
0x12: {  	_ =	swait.ge [sflag:s11], $0x200  }
0x13: {  	[sflag:s11] =	ssyncset.done $0x0  }
0x14: {  	[sflag:s11] =	ssyncadd.s32 $0xFFFFFE00  }
0x15: {  	[tilespmem:s12], [sflag:$0x2] =	stream.linear.gather [hbm4b:s8+s3], $0x200, $0x38;
	[tilespmem:$0x4B10] =	vst v63  }
0x16: {  	_ =	swait.ge [sflag:s11], $0x200  }
0x17: {  	[sflag:s11] =	ssyncset.done $0x0  }
0x18: {  	s4 =	simm.s32 $0x400;
	[sflag:s11] =	ssyncadd.s32 $0xFFFFFE00  }
0x19: {  	[tilespmem:s4], [sflag:$0x1] =	stream.indirect.gather [hbm4b:s5+s13], $0x10, s3, s13, $0xb8;
	[tilespmem:$0x4B10] =	vst v63  }
0x1a: {  	s24 =	simm.s32 $0x2400  }
0x1b: {  	[tilespmem:s24], [sflag:$0x1] =	stream.indirect.gather [hbm4b:s6+s13], $0x10, s12, s13, $0xb8;
	[tilespmem:$0x4B10] =	vst v63  }
0x1c: {  	s26 =	simm.s32 $0x4400  }
0x1d: {  	[tilespmem:s26], [sflag:$0x1] =	stream.indirect.gather [hbm4b:s1+s13], $0x1, s3, s13, $0xb8;
	[tilespmem:$0x4B10] =	vst v63  }
0x1e: {  	s31 =	simm.s32 $0x4600  }
0x1f: {  	[tilespmem:s31], [sflag:$0x1] =	stream.indirect.gather [hbm4b:s2+s13], $0x1, s12, s13, $0xb8;
	[tilespmem:$0x4B10] =	vst v63  }
0x20: {  	s21 =	simm.s32 $0xC00  }
0x21: {  	[tilespmem:s21], [sflag:$0x1] =	stream.indirect.gather [hbm4b:s5+s13], $0x10, s13, s13, $0xb8;
	[tilespmem:$0x4B10] =	vst v63  }
0x22: {  	s22 =	simm.s32 $0x2C00  }
0x23: {  	[tilespmem:s22], [sflag:$0x1] =	stream.indirect.gather [hbm4b:s6+s13], $0x10, s19, s13, $0xb8;
	[tilespmem:$0x4B10] =	vst v63  }
0x24: {  	s24 =	simm.s32 $0x4480  }
0x25: {  	[tilespmem:s24], [sflag:$0x1] =	stream.indirect.gather [hbm4b:s1+s13], $0x1, s13, s13, $0xb8;
	[tilespmem:$0x4B10] =	vst v63  }
0x26: {  	s26 =	simm.s32 $0x4680  }
0x27: {  	[tilespmem:s26], [sflag:$0x1] =	stream.indirect.gather [hbm4b:s2+s13], $0x1, s19, s13, $0xb8;
	[tilespmem:$0x4B10] =	vst v63  }
0x28: {  	s31 =	simm.s32 $0x1400  }
0x29: {  	[tilespmem:s31], [sflag:$0x1] =	stream.indirect.gather [hbm4b:s5+s13], $0x10, s23, s13, $0xb8;
	[tilespmem:$0x4B10] =	vst v63  }
0x2a: {  	s21 =	simm.s32 $0x3400  }
0x2b: {  	[tilespmem:s21], [sflag:$0x1] =	stream.indirect.gather [hbm4b:s6+s13], $0x10, s25, s13, $0xb8;
	[tilespmem:$0x4B10] =	vst v63  }
0x2c: {  	s22 =	simm.s32 $0x4500  }
0x2d: {  	[tilespmem:s22], [sflag:$0x1] =	stream.indirect.gather [hbm4b:s1+s13], $0x1, s23, s13, $0xb8;
	[tilespmem:$0x4B10] =	vst v63  }
0x2e: {  	s24 =	simm.s32 $0x4700  }
0x2f: {  	[tilespmem:s24], [sflag:$0x1] =	stream.indirect.gather [hbm4b:s2+s13], $0x1, s25, s13, $0xb8;
	[tilespmem:$0x4B10] =	vst v63  }
0x30: {  	s26 =	simm.s32 $0x1C00  }
0x31: {  	[tilespmem:s26], [sflag:$0x1] =	stream.indirect.gather [hbm4b:s5+s13], $0x10, s30, s13, $0xb8;
	[tilespmem:$0x4B10] =	vst v63  }
0x32: {  	s31 =	simm.s32 $0x3C00  }
0x33: {  	[tilespmem:s31], [sflag:$0x1] =	stream.indirect.gather [hbm4b:s6+s13], $0x10, s0, s13, $0xb8;
	[tilespmem:$0x4B10] =	vst v63  }
0x34: {  	_ = 	snop  }
0x35: {  	[tilespmem:s14], [sflag:$0x1] =	stream.indirect.gather [hbm4b:s1+s13], $0x1, s30, s13, $0xb8;
	[tilespmem:$0x4B10] =	vst v63  }
0x36: {  	_ = 	snop  }
0x37: {  	[tilespmem:s15], [sflag:$0x1] =	stream.indirect.gather [hbm4b:s2+s13], $0x1, s0, s13, $0xb8;
	[tilespmem:$0x4B10] =	vst v63  }
0x38: {  	_ =	swait.ge [sflag:s16], $0x800  }
0x39: {  	[sflag:s16] =	ssyncset.done $0x0  }
0x3a: {  	[sflag:s16] =	ssyncadd.s32 $0xFFFFF800  }
0x3b: {  	_ =	swait.ge [sflag:s16], $0x800  }
0x3c: {  	[sflag:s16] =	ssyncset.done $0x0  }
0x3d: {  	[sflag:s16] =	ssyncadd.s32 $0xFFFFF800  }
0x3e: {  	_ =	swait.ge [sflag:s16], $0x80  }
0x3f: {  	[sflag:s16] =	ssyncset.done $0x0  }
0x40: {  	[sflag:s16] =	ssyncadd.s32 $0xFFFFFF80  }
0x41: {  	_ =	swait.ge [sflag:s16], $0x80  }
0x42: {  	[sflag:s16] =	ssyncset.done $0x0  }
0x43: {  	[sflag:s16] =	ssyncadd.s32 $0xFFFFFF80  }
0x44: {  	_ =	swait.ge [sflag:s16], $0x800  }
0x45: {  	[sflag:s16] =	ssyncset.done $0x0  }
0x46: {  	[sflag:s16] =	ssyncadd.s32 $0xFFFFF800  }
0x47: {  	_ =	swait.ge [sflag:s16], $0x800  }
0x48: {  	[sflag:s16] =	ssyncset.done $0x0  }
0x49: {  	[sflag:s16] =	ssyncadd.s32 $0xFFFFF800  }
0x4a: {  	_ =	swait.ge [sflag:s16], $0x80  }
0x4b: {  	[sflag:s16] =	ssyncset.done $0x0  }
0x4c: {  	[sflag:s16] =	ssyncadd.s32 $0xFFFFFF80  }
0x4d: {  	_ =	swait.ge [sflag:s16], $0x80  }
0x4e: {  	[sflag:s16] =	ssyncset.done $0x0  }
0x4f: {  	[sflag:s16] =	ssyncadd.s32 $0xFFFFFF80  }
0x50: {  	_ =	swait.ge [sflag:s16], $0x800  }
0x51: {  	[sflag:s16] =	ssyncset.done $0x0  }
0x52: {  	[sflag:s16] =	ssyncadd.s32 $0xFFFFF800  }
0x53: {  	_ =	swait.ge [sflag:s16], $0x800  }
0x54: {  	[sflag:s16] =	ssyncset.done $0x0  }
0x55: {  	[sflag:s16] =	ssyncadd.s32 $0xFFFFF800  }
0x56: {  	_ =	swait.ge [sflag:s16], $0x80  }
0x57: {  	[sflag:s16] =	ssyncset.done $0x0  }
0x58: {  	[sflag:s16] =	ssyncadd.s32 $0xFFFFFF80  }
0x59: {  	_ =	swait.ge [sflag:s16], $0x80  }
0x5a: {  	[sflag:s16] =	ssyncset.done $0x0  }
0x5b: {  	[sflag:s16] =	ssyncadd.s32 $0xFFFFFF80  }
0x5c: {  	_ =	swait.ge [sflag:s16], $0x800  }
0x5d: {  	[sflag:s16] =	ssyncset.done $0x0  }
0x5e: {  	[sflag:s16] =	ssyncadd.s32 $0xFFFFF800  }
0x5f: {  	_ =	swait.ge [sflag:s16], $0x800  }
0x60: {  	[sflag:s16] =	ssyncset.done $0x0  }
0x61: {  	[sflag:s16] =	ssyncadd.s32 $0xFFFFF800  }
0x62: {  	_ =	swait.ge [sflag:s16], $0x80  }
0x63: {  	[sflag:s16] =	ssyncset.done $0x0  }
0x64: {  	[sflag:s16] =	ssyncadd.s32 $0xFFFFFF80  }
0x65: {  	_ =	swait.ge [sflag:s16], $0x80  }
0x66: {  	[sflag:s16] =	ssyncset.done $0x0  }
0x67: {  	s21 =	simm.s32 $0x2480;
	[sflag:s16] =	ssyncadd.s32 $0xFFFFFF80  }
0x68: {  	s22 =	simm.s32 $0x480;
	v16 =	vld [tilespmem:s21+$0xFFFFFF80]  }
0x69: {  	v17 =	vld [tilespmem:s22+$0xFFFFFF80];
	_ =	sdelay $0x3  }
0x6a: {  	v18 =	vunpack.i.l.bf16.f32 v16  }
0x6b: {  	v19 =	vunpack.i.u.bf16.f32 v17;
	v17 =	vunpack.i.l.bf16.f32 v17;
	v16 =	vunpack.i.u.bf16.f32 v16  }
0x6c: {  	v17 =	vmul.f32 v18, v17;
	v16 =	vmul.f32 v16, v19;
	_ =	sdelay $0x1  }
0x6d: {  	v16 =	vadd.f32 v17, v16;
	_ =	sdelay $0x1  }
0x6e: {  	[tilespmem:$0x4A00] =	vst v16  }
0x6f: {  	v16 =	vld [tilespmem:s22+$0xFFFFFF90]  }
0x70: {  	v17 =	vld [tilespmem:s21+$0xFFFFFF90];
	_ =	sdelay $0x3  }
0x71: {  	v18 =	vunpack.i.l.bf16.f32 v16  }
0x72: {  	v16 =	vunpack.i.u.bf16.f32 v16;
	v19 =	vunpack.i.u.bf16.f32 v17;
	v17 =	vunpack.i.l.bf16.f32 v17  }
0x73: {  	v17 =	vmul.f32 v17, v18;
	v16 =	vmul.f32 v19, v16;
	_ =	sdelay $0x1  }
0x74: {  	v16 =	vadd.f32 v17, v16;
	_ =	sdelay $0x1  }
0x75: {  	[tilespmem:$0x4A11] =	vst v16  }
0x76: {  	v16 =	vld [tilespmem:s22+$0xFFFFFFA0]  }
0x77: {  	v17 =	vld [tilespmem:s21+$0xFFFFFFA0];
	_ =	sdelay $0x3  }
0x78: {  	v18 =	vunpack.i.l.bf16.f32 v16  }
0x79: {  	v16 =	vunpack.i.u.bf16.f32 v16;
	v19 =	vunpack.i.u.bf16.f32 v17;
	v17 =	vunpack.i.l.bf16.f32 v17  }
0x7a: {  	v17 =	vmul.f32 v17, v18;
	v16 =	vmul.f32 v19, v16;
	_ =	sdelay $0x1  }
0x7b: {  	v16 =	vadd.f32 v17, v16;
	_ =	sdelay $0x1  }
0x7c: {  	[tilespmem:$0x4A22] =	vst v16  }
0x7d: {  	v16 =	vld [tilespmem:s22+$0xFFFFFFB0]  }
0x7e: {  	v17 =	vld [tilespmem:s21+$0xFFFFFFB0];
	_ =	sdelay $0x3  }
0x7f: {  	v18 =	vunpack.i.l.bf16.f32 v16  }
0x80: {  	v16 =	vunpack.i.u.bf16.f32 v16;
	v19 =	vunpack.i.u.bf16.f32 v17;
	v17 =	vunpack.i.l.bf16.f32 v17  }
0x81: {  	v17 =	vmul.f32 v17, v18;
	v16 =	vmul.f32 v19, v16;
	_ =	sdelay $0x1  }
0x82: {  	v16 =	vadd.f32 v17, v16;
	_ =	sdelay $0x1  }
0x83: {  	[tilespmem:$0x4A33] =	vst v16  }
0x84: {  	v16 =	vld [tilespmem:s22+$0xFFFFFFC0]  }
0x85: {  	v17 =	vld [tilespmem:s21+$0xFFFFFFC0];
	_ =	sdelay $0x3  }
0x86: {  	v18 =	vunpack.i.l.bf16.f32 v16  }
0x87: {  	v16 =	vunpack.i.u.bf16.f32 v16;
	v19 =	vunpack.i.u.bf16.f32 v17;
	v17 =	vunpack.i.l.bf16.f32 v17  }
0x88: {  	v17 =	vmul.f32 v17, v18;
	v16 =	vmul.f32 v19, v16;
	_ =	sdelay $0x1  }
0x89: {  	v16 =	vadd.f32 v17, v16;
	_ =	sdelay $0x1  }
0x8a: {  	[tilespmem:$0x4A44] =	vst v16  }
0x8b: {  	v16 =	vld [tilespmem:s22+$0xFFFFFFD0]  }
0x8c: {  	v17 =	vld [tilespmem:s21+$0xFFFFFFD0];
	_ =	sdelay $0x3  }
0x8d: {  	v18 =	vunpack.i.u.bf16.f32 v16  }
0x8e: {  	v16 =	vunpack.i.l.bf16.f32 v16;
	v19 =	vunpack.i.u.bf16.f32 v17;
	v17 =	vunpack.i.l.bf16.f32 v17  }
0x8f: {  	v16 =	vmul.f32 v17, v16;
	v17 =	vmul.f32 v19, v18;
	_ =	sdelay $0x1  }
0x90: {  	v16 =	vadd.f32 v16, v17;
	_ =	sdelay $0x1  }
0x91: {  	[tilespmem:$0x4A55] =	vst v16  }
0x92: {  	v16 =	vld [tilespmem:s22+$0xFFFFFFE0]  }
0x93: {  	v17 =	vld [tilespmem:s21+$0xFFFFFFE0];
	_ =	sdelay $0x3  }
0x94: {  	v18 =	vunpack.i.l.bf16.f32 v16  }
0x95: {  	v16 =	vunpack.i.u.bf16.f32 v16;
	v19 =	vunpack.i.u.bf16.f32 v17;
	v17 =	vunpack.i.l.bf16.f32 v17  }
0x96: {  	v17 =	vmul.f32 v17, v18;
	v16 =	vmul.f32 v19, v16;
	_ =	sdelay $0x1  }
0x97: {  	v16 =	vadd.f32 v17, v16;
	_ =	sdelay $0x1  }
0x98: {  	[tilespmem:$0x4A66] =	vst v16  }
0x99: {  	v16 =	vld [tilespmem:s22+$0xFFFFFFF0]  }
0x9a: {  	v17 =	vld [tilespmem:s21+$0xFFFFFFF0];
	_ =	sdelay $0x3  }
0x9b: {  	v18 =	vunpack.i.l.bf16.f32 v16  }
0x9c: {  	v16 =	vunpack.i.u.bf16.f32 v16;
	v19 =	vunpack.i.u.bf16.f32 v17;
	v17 =	vunpack.i.l.bf16.f32 v17  }
0x9d: {  	v17 =	vmul.f32 v17, v18;
	v16 =	vmul.f32 v19, v16;
	_ =	sdelay $0x1  }
0x9e: {  	v16 =	vadd.f32 v17, v16;
	_ =	sdelay $0x1  }
0x9f: {  	[tilespmem:$0x4A77] =	vst v16  }
0xa0: {  	v16 =	vld [tilespmem:s22+$0x0]  }
0xa1: {  	v17 =	vld [tilespmem:s21+$0x0];
	_ =	sdelay $0x3  }
0xa2: {  	v18 =	vunpack.i.l.bf16.f32 v16  }
0xa3: {  	v16 =	vunpack.i.u.bf16.f32 v16;
	v19 =	vunpack.i.u.bf16.f32 v17;
	v17 =	vunpack.i.l.bf16.f32 v17  }
0xa4: {  	v17 =	vmul.f32 v17, v18;
	v16 =	vmul.f32 v19, v16;
	_ =	sdelay $0x1  }
0xa5: {  	v16 =	vadd.f32 v17, v16;
	_ =	sdelay $0x1  }
0xa6: {  	[tilespmem:$0x4A88] =	vst v16  }
0xa7: {  	v16 =	vld [tilespmem:s21+$0x10]  }
0xa8: {  	v17 =	vld [tilespmem:s22+$0x10];
	_ =	sdelay $0x3  }
0xa9: {  	v18 =	vunpack.i.l.bf16.f32 v16  }
0xaa: {  	v19 =	vunpack.i.u.bf16.f32 v17;
	v17 =	vunpack.i.l.bf16.f32 v17;
	v16 =	vunpack.i.u.bf16.f32 v16  }
0xab: {  	v17 =	vmul.f32 v18, v17;
	v16 =	vmul.f32 v16, v19;
	_ =	sdelay $0x1  }
0xac: {  	v16 =	vadd.f32 v17, v16;
	_ =	sdelay $0x1  }
0xad: {  	[tilespmem:$0x4A99] =	vst v16  }
0xae: {  	v16 =	vld [tilespmem:s22+$0x20]  }
0xaf: {  	v17 =	vld [tilespmem:s21+$0x20];
	_ =	sdelay $0x3  }
0xb0: {  	v18 =	vunpack.i.u.bf16.f32 v16  }
0xb1: {  	v16 =	vunpack.i.l.bf16.f32 v16;
	v19 =	vunpack.i.u.bf16.f32 v17;
	v17 =	vunpack.i.l.bf16.f32 v17  }
0xb2: {  	v16 =	vmul.f32 v17, v16;
	v17 =	vmul.f32 v19, v18;
	_ =	sdelay $0x1  }
0xb3: {  	v16 =	vadd.f32 v16, v17;
	_ =	sdelay $0x1  }
0xb4: {  	[tilespmem:$0x4AAA] =	vst v16  }
0xb5: {  	v16 =	vld [tilespmem:s22+$0x30]  }
0xb6: {  	v17 =	vld [tilespmem:s21+$0x30];
	_ =	sdelay $0x3  }
0xb7: {  	v18 =	vunpack.i.l.bf16.f32 v16  }
0xb8: {  	v16 =	vunpack.i.u.bf16.f32 v16;
	v19 =	vunpack.i.u.bf16.f32 v17;
	v17 =	vunpack.i.l.bf16.f32 v17  }
0xb9: {  	v17 =	vmul.f32 v17, v18;
	v16 =	vmul.f32 v19, v16;
	_ =	sdelay $0x1  }
0xba: {  	v16 =	vadd.f32 v17, v16;
	_ =	sdelay $0x1  }
0xbb: {  	[tilespmem:$0x4ABB] =	vst v16  }
0xbc: {  	v16 =	vld [tilespmem:s22+$0x40]  }
0xbd: {  	v17 =	vld [tilespmem:s21+$0x40];
	_ =	sdelay $0x3  }
0xbe: {  	v18 =	vunpack.i.l.bf16.f32 v16  }
0xbf: {  	v16 =	vunpack.i.u.bf16.f32 v16;
	v19 =	vunpack.i.u.bf16.f32 v17;
	v17 =	vunpack.i.l.bf16.f32 v17  }
0xc0: {  	v17 =	vmul.f32 v17, v18;
	v16 =	vmul.f32 v19, v16;
	_ =	sdelay $0x1  }
0xc1: {  	v16 =	vadd.f32 v17, v16;
	_ =	sdelay $0x1  }
0xc2: {  	[tilespmem:$0x4ACC] =	vst v16  }
0xc3: {  	v16 =	vld [tilespmem:s22+$0x50]  }
0xc4: {  	v17 =	vld [tilespmem:s21+$0x50];
	_ =	sdelay $0x3  }
0xc5: {  	v18 =	vunpack.i.l.bf16.f32 v16  }
0xc6: {  	v16 =	vunpack.i.u.bf16.f32 v16;
	v19 =	vunpack.i.u.bf16.f32 v17;
	v17 =	vunpack.i.l.bf16.f32 v17  }
0xc7: {  	v17 =	vmul.f32 v17, v18;
	v16 =	vmul.f32 v19, v16;
	_ =	sdelay $0x1  }
0xc8: {  	v16 =	vadd.f32 v17, v16;
	_ =	sdelay $0x1  }
0xc9: {  	[tilespmem:$0x4ADD] =	vst v16  }
0xca: {  	v16 =	vld [tilespmem:s21+$0x60]  }
0xcb: {  	v17 =	vld [tilespmem:s22+$0x60];
	_ =	sdelay $0x3  }
0xcc: {  	v18 =	vunpack.i.l.bf16.f32 v16  }
0xcd: {  	v19 =	vunpack.i.u.bf16.f32 v17;
	v17 =	vunpack.i.l.bf16.f32 v17;
	v16 =	vunpack.i.u.bf16.f32 v16  }
0xce: {  	v17 =	vmul.f32 v18, v17;
	v16 =	vmul.f32 v16, v19  }
0xcf: {  	s28 =	simm.s32 $0x480  }
0xd0: {  	s29 =	simm.s32 $0x2480;
	s24 =	simm.s32 $0x0;
	s26 =	simm.s32 $0x40;
	v16 =	vadd.f32 v17, v16  }
.LBB2_2:
0xd1: {  	p0 =	sne.s32 s26, $0x7C0;
	s21 =	sadd.s32 $0x100, s21;
	s22 =	sadd.s32 $0x100, s22  }
0xd2: {  	s4 =	smov.u32 s26;
	s26 =	sadd.s32 $0x40, s26;
	[tilespmem:$0x4AEE] =	vst v16  }
0xd3: {  	v16 =	vld [tilespmem:s28+$0x70];
	s28 =	smov.u32 s22  }
0xd4: {  	v17 =	vld [tilespmem:s29+$0x70];
	s29 =	smov.u32 s21;
	_ =	sdelay $0x3  }
0xd5: {  	v18 =	vunpack.i.l.bf16.f32 v16  }
0xd6: {  	v16 =	vunpack.i.u.bf16.f32 v16;
	v19 =	vunpack.i.u.bf16.f32 v17;
	v17 =	vunpack.i.l.bf16.f32 v17  }
0xd7: {  	v17 =	vmul.f32 v17, v18;
	v16 =	vmul.f32 v19, v16;
	_ =	sdelay $0x1  }
0xd8: {  	v16 =	vadd.f32 v17, v16;
	_ =	sdelay $0x1  }
0xd9: {  	s31 =	sshra.s32 s24, $0x2;
	s24 =	smov.u32 s4;
	[tilespmem:$0x4AFF] =	vst v16  }
0xda: {  	v16 =	vld [tilespmem:s31+$0x4600]  }
0xdb: {  	v17 =	vld [tilespmem:s31+$0x4400]  }
0xdc: {  	v18 =	vld.idx.msk [tilespmem:v0+s17+$0x0], $0xffff  }
0xdd: {  	v19 =	vld.idx.msk [tilespmem:v2+s17+$0x0], $0xffff  }
0xde: {  	v20 =	vld.idx.msk [tilespmem:v1+s17+$0x0], $0xffff  }
0xdf: {  	v21 =	vld.idx.msk [tilespmem:v3+s17+$0x0], $0xffff  }
0xe0: {  	v16 =	vadd.f32 v16, v17;
	v17 =	vld.idx.msk [tilespmem:v4+s17+$0x0], $0xffff  }
0xe1: {  	v22 =	vld.idx.msk [tilespmem:v5+s17+$0x0], $0xffff  }
0xe2: {  	v16 =	vadd.f32 v18, v16;
	v18 =	vld.idx.msk [tilespmem:v6+s17+$0x0], $0xffff  }
0xe3: {  	v23 =	vld.idx.msk [tilespmem:v7+s17+$0x0], $0xffff  }
0xe4: {  	v16 =	vadd.f32 v20, v16;
	v20 =	vld.idx.msk [tilespmem:v8+s17+$0x0], $0xffff  }
0xe5: {  	v24 =	vld.idx.msk [tilespmem:v9+s17+$0x0], $0xffff  }
0xe6: {  	v16 =	vadd.f32 v19, v16;
	v19 =	vld.idx.msk [tilespmem:v10+s17+$0x0], $0xffff  }
0xe7: {  	v25 =	vld.idx.msk [tilespmem:v11+s17+$0x0], $0xffff  }
0xe8: {  	v16 =	vadd.f32 v21, v16;
	v21 =	vld.idx.msk [tilespmem:v12+s17+$0x0], $0xffff  }
0xe9: {  	v26 =	vld.idx.msk [tilespmem:v13+s17+$0x0], $0xffff  }
0xea: {  	v16 =	vadd.f32 v17, v16;
	v17 =	vld.idx.msk [tilespmem:v14+s17+$0x0], $0xffff  }
0xeb: {  	v27 =	vld.idx.msk [tilespmem:v15+s17+$0x0], $0xffff  }
0xec: {  	v16 =	vadd.f32 v22, v16;
	_ =	sdelay $0x1  }
0xed: {  	v16 =	vadd.f32 v18, v16;
	_ =	sdelay $0x1  }
0xee: {  	v16 =	vadd.f32 v23, v16;
	_ =	sdelay $0x1  }
0xef: {  	v16 =	vadd.f32 v20, v16;
	_ =	sdelay $0x1  }
0xf0: {  	v16 =	vadd.f32 v24, v16;
	_ =	sdelay $0x1  }
0xf1: {  	v16 =	vadd.f32 v19, v16;
	_ =	sdelay $0x1  }
0xf2: {  	v16 =	vadd.f32 v25, v16;
	_ =	sdelay $0x1  }
0xf3: {  	v16 =	vadd.f32 v21, v16;
	_ =	sdelay $0x1  }
0xf4: {  	v16 =	vadd.f32 v26, v16;
	_ =	sdelay $0x1  }
0xf5: {  	v16 =	vadd.f32 v17, v16;
	_ =	sdelay $0x1  }
0xf6: {  	v16 =	vadd.f32 v27, v16;
	_ =	sdelay $0x1  }
0xf7: {  	[tilespmem:s31+$0x4800] =	vst v16  }
0xf8: {  	v16 =	vld [tilespmem:s21+$0xFFFFFF80]  }
0xf9: {  	v17 =	vld [tilespmem:s22+$0xFFFFFF80];
	_ =	sdelay $0x3  }
0xfa: {  	v18 =	vunpack.i.l.bf16.f32 v16  }
0xfb: {  	v16 =	vunpack.i.u.bf16.f32 v16;
	v19 =	vunpack.i.u.bf16.f32 v17;
	v17 =	vunpack.i.l.bf16.f32 v17  }
0xfc: {  	v17 =	vmul.f32 v18, v17;
	v16 =	vmul.f32 v16, v19;
	_ =	sdelay $0x1  }
0xfd: {  	v16 =	vadd.f32 v17, v16;
	_ =	sdelay $0x1  }
0xfe: {  	[tilespmem:$0x4A00] =	vst v16  }
0xff: {  	v16 =	vld [tilespmem:s22+$0xFFFFFF90]  }
0x100: {  	v17 =	vld [tilespmem:s21+$0xFFFFFF90];
	_ =	sdelay $0x3  }
0x101: {  	v18 =	vunpack.i.l.bf16.f32 v16  }
0x102: {  	v16 =	vunpack.i.u.bf16.f32 v16;
	v19 =	vunpack.i.u.bf16.f32 v17;
	v17 =	vunpack.i.l.bf16.f32 v17  }
0x103: {  	v17 =	vmul.f32 v17, v18;
	v16 =	vmul.f32 v19, v16;
	_ =	sdelay $0x1  }
0x104: {  	v16 =	vadd.f32 v17, v16;
	_ =	sdelay $0x1  }
0x105: {  	[tilespmem:$0x4A11] =	vst v16  }
0x106: {  	v16 =	vld [tilespmem:s22+$0xFFFFFFA0]  }
0x107: {  	v17 =	vld [tilespmem:s21+$0xFFFFFFA0];
	_ =	sdelay $0x3  }
0x108: {  	v18 =	vunpack.i.l.bf16.f32 v16  }
0x109: {  	v16 =	vunpack.i.u.bf16.f32 v16;
	v19 =	vunpack.i.u.bf16.f32 v17;
	v17 =	vunpack.i.l.bf16.f32 v17  }
0x10a: {  	v17 =	vmul.f32 v17, v18;
	v16 =	vmul.f32 v19, v16;
	_ =	sdelay $0x1  }
0x10b: {  	v16 =	vadd.f32 v17, v16;
	_ =	sdelay $0x1  }
0x10c: {  	[tilespmem:$0x4A22] =	vst v16  }
0x10d: {  	v16 =	vld [tilespmem:s22+$0xFFFFFFB0]  }
0x10e: {  	v17 =	vld [tilespmem:s21+$0xFFFFFFB0];
	_ =	sdelay $0x3  }
0x10f: {  	v18 =	vunpack.i.l.bf16.f32 v16  }
0x110: {  	v16 =	vunpack.i.u.bf16.f32 v16;
	v19 =	vunpack.i.u.bf16.f32 v17;
	v17 =	vunpack.i.l.bf16.f32 v17  }
0x111: {  	v17 =	vmul.f32 v17, v18;
	v16 =	vmul.f32 v19, v16;
	_ =	sdelay $0x1  }
0x112: {  	v16 =	vadd.f32 v17, v16;
	_ =	sdelay $0x1  }
0x113: {  	[tilespmem:$0x4A33] =	vst v16  }
0x114: {  	v16 =	vld [tilespmem:s22+$0xFFFFFFC0]  }
0x115: {  	v17 =	vld [tilespmem:s21+$0xFFFFFFC0];
	_ =	sdelay $0x3  }
0x116: {  	v18 =	vunpack.i.l.bf16.f32 v16  }
0x117: {  	v16 =	vunpack.i.u.bf16.f32 v16;
	v19 =	vunpack.i.u.bf16.f32 v17;
	v17 =	vunpack.i.l.bf16.f32 v17  }
0x118: {  	v17 =	vmul.f32 v17, v18;
	v16 =	vmul.f32 v19, v16;
	_ =	sdelay $0x1  }
0x119: {  	v16 =	vadd.f32 v17, v16;
	_ =	sdelay $0x1  }
0x11a: {  	[tilespmem:$0x4A44] =	vst v16  }
0x11b: {  	v16 =	vld [tilespmem:s22+$0xFFFFFFD0]  }
0x11c: {  	v17 =	vld [tilespmem:s21+$0xFFFFFFD0];
	_ =	sdelay $0x3  }
0x11d: {  	v18 =	vunpack.i.u.bf16.f32 v16  }
0x11e: {  	v16 =	vunpack.i.l.bf16.f32 v16;
	v19 =	vunpack.i.u.bf16.f32 v17;
	v17 =	vunpack.i.l.bf16.f32 v17  }
0x11f: {  	v16 =	vmul.f32 v17, v16;
	v17 =	vmul.f32 v19, v18;
	_ =	sdelay $0x1  }
0x120: {  	v16 =	vadd.f32 v16, v17;
	_ =	sdelay $0x1  }
0x121: {  	[tilespmem:$0x4A55] =	vst v16  }
0x122: {  	v16 =	vld [tilespmem:s22+$0xFFFFFFE0]  }
0x123: {  	v17 =	vld [tilespmem:s21+$0xFFFFFFE0];
	_ =	sdelay $0x3  }
0x124: {  	v18 =	vunpack.i.l.bf16.f32 v16  }
0x125: {  	v16 =	vunpack.i.u.bf16.f32 v16;
	v19 =	vunpack.i.u.bf16.f32 v17;
	v17 =	vunpack.i.l.bf16.f32 v17  }
0x126: {  	v17 =	vmul.f32 v17, v18;
	v16 =	vmul.f32 v19, v16;
	_ =	sdelay $0x1  }
0x127: {  	v16 =	vadd.f32 v17, v16;
	_ =	sdelay $0x1  }
0x128: {  	[tilespmem:$0x4A66] =	vst v16  }
0x129: {  	v16 =	vld [tilespmem:s22+$0xFFFFFFF0]  }
0x12a: {  	v17 =	vld [tilespmem:s21+$0xFFFFFFF0];
	_ =	sdelay $0x3  }
0x12b: {  	v18 =	vunpack.i.l.bf16.f32 v16  }
0x12c: {  	v16 =	vunpack.i.u.bf16.f32 v16;
	v19 =	vunpack.i.u.bf16.f32 v17;
	v17 =	vunpack.i.l.bf16.f32 v17  }
0x12d: {  	v17 =	vmul.f32 v17, v18;
	v16 =	vmul.f32 v19, v16;
	_ =	sdelay $0x1  }
0x12e: {  	v16 =	vadd.f32 v17, v16;
	_ =	sdelay $0x1  }
0x12f: {  	[tilespmem:$0x4A77] =	vst v16  }
0x130: {  	v16 =	vld [tilespmem:s22+$0x0]  }
0x131: {  	v17 =	vld [tilespmem:s21+$0x0];
	_ =	sdelay $0x3  }
0x132: {  	v18 =	vunpack.i.l.bf16.f32 v16  }
0x133: {  	v16 =	vunpack.i.u.bf16.f32 v16;
	v19 =	vunpack.i.u.bf16.f32 v17;
	v17 =	vunpack.i.l.bf16.f32 v17  }
0x134: {  	v17 =	vmul.f32 v17, v18;
	v16 =	vmul.f32 v19, v16;
	_ =	sdelay $0x1  }
0x135: {  	v16 =	vadd.f32 v17, v16;
	_ =	sdelay $0x1  }
0x136: {  	[tilespmem:$0x4A88] =	vst v16  }
0x137: {  	v16 =	vld [tilespmem:s21+$0x10]  }
0x138: {  	v17 =	vld [tilespmem:s22+$0x10];
	_ =	sdelay $0x3  }
0x139: {  	v18 =	vunpack.i.l.bf16.f32 v16  }
0x13a: {  	v16 =	vunpack.i.u.bf16.f32 v16;
	v19 =	vunpack.i.u.bf16.f32 v17;
	v17 =	vunpack.i.l.bf16.f32 v17  }
0x13b: {  	v17 =	vmul.f32 v18, v17;
	v16 =	vmul.f32 v16, v19;
	_ =	sdelay $0x1  }
0x13c: {  	v16 =	vadd.f32 v17, v16;
	_ =	sdelay $0x1  }
0x13d: {  	[tilespmem:$0x4A99] =	vst v16  }
0x13e: {  	v16 =	vld [tilespmem:s22+$0x20]  }
0x13f: {  	v17 =	vld [tilespmem:s21+$0x20];
	_ =	sdelay $0x3  }
0x140: {  	v18 =	vunpack.i.u.bf16.f32 v16;
	v16 =	vunpack.i.l.bf16.f32 v16  }
0x141: {  	v19 =	vunpack.i.u.bf16.f32 v17;
	v17 =	vunpack.i.l.bf16.f32 v17  }
0x142: {  	v16 =	vmul.f32 v17, v16;
	v17 =	vmul.f32 v19, v18;
	_ =	sdelay $0x1  }
0x143: {  	v16 =	vadd.f32 v16, v17;
	_ =	sdelay $0x1  }
0x144: {  	[tilespmem:$0x4AAA] =	vst v16  }
0x145: {  	v16 =	vld [tilespmem:s22+$0x30]  }
0x146: {  	v17 =	vld [tilespmem:s21+$0x30];
	_ =	sdelay $0x3  }
0x147: {  	v18 =	vunpack.i.l.bf16.f32 v16  }
0x148: {  	v16 =	vunpack.i.u.bf16.f32 v16;
	v19 =	vunpack.i.u.bf16.f32 v17;
	v17 =	vunpack.i.l.bf16.f32 v17  }
0x149: {  	v17 =	vmul.f32 v17, v18;
	v16 =	vmul.f32 v19, v16;
	_ =	sdelay $0x1  }
0x14a: {  	v16 =	vadd.f32 v17, v16;
	_ =	sdelay $0x1  }
0x14b: {  	[tilespmem:$0x4ABB] =	vst v16  }
0x14c: {  	v16 =	vld [tilespmem:s22+$0x40]  }
0x14d: {  	v17 =	vld [tilespmem:s21+$0x40];
	_ =	sdelay $0x3  }
0x14e: {  	v18 =	vunpack.i.l.bf16.f32 v16  }
0x14f: {  	v16 =	vunpack.i.u.bf16.f32 v16;
	v19 =	vunpack.i.u.bf16.f32 v17;
	v17 =	vunpack.i.l.bf16.f32 v17  }
0x150: {  	v17 =	vmul.f32 v17, v18;
	v16 =	vmul.f32 v19, v16;
	_ =	sdelay $0x1  }
0x151: {  	v16 =	vadd.f32 v17, v16;
	_ =	sdelay $0x1  }
0x152: {  	[tilespmem:$0x4ACC] =	vst v16  }
0x153: {  	v16 =	vld [tilespmem:s22+$0x50]  }
0x154: {  	v17 =	vld [tilespmem:s21+$0x50];
	_ =	sdelay $0x3  }
0x155: {  	v18 =	vunpack.i.l.bf16.f32 v16  }
0x156: {  	v16 =	vunpack.i.u.bf16.f32 v16;
	v19 =	vunpack.i.u.bf16.f32 v17;
	v17 =	vunpack.i.l.bf16.f32 v17  }
0x157: {  	v17 =	vmul.f32 v17, v18;
	v16 =	vmul.f32 v19, v16;
	_ =	sdelay $0x1  }
0x158: {  	v16 =	vadd.f32 v17, v16;
	_ =	sdelay $0x1  }
0x159: {  	[tilespmem:$0x4ADD] =	vst v16  }
0x15a: {  	v16 =	vld [tilespmem:s21+$0x60]  }
0x15b: {  	v17 =	vld [tilespmem:s22+$0x60];
	_ =	sdelay $0x3  }
.Ltmp0:
0x15c: {  	v18 =	vunpack.i.l.bf16.f32 v16;
	(pc) =	sbr.rel @p0 .LBB2_2-.Ltmp0, $3  }
0x15d: {  	v16 =	vunpack.i.u.bf16.f32 v16;
	v19 =	vunpack.i.u.bf16.f32 v17;
	v17 =	vunpack.i.l.bf16.f32 v17  }
0x15e: {  	v17 =	vmul.f32 v18, v17;
	v16 =	vmul.f32 v16, v19;
	_ =	sdelay $0x1  }
0x15f: {  	v16 =	vadd.f32 v17, v16  }
0x160: {  	_ = 	snop  }
0x161: {  	[tilespmem:$0x4AEE] =	vst v16  }
0x162: {  	v16 =	vld [tilespmem:s28+$0x70]  }
0x163: {  	v17 =	vld [tilespmem:s29+$0x70];
	_ =	sdelay $0x3  }
0x164: {  	v18 =	vunpack.i.l.bf16.f32 v16  }
0x165: {  	v16 =	vunpack.i.u.bf16.f32 v16;
	v19 =	vunpack.i.u.bf16.f32 v17;
	v17 =	vunpack.i.l.bf16.f32 v17  }
0x166: {  	v17 =	vmul.f32 v17, v18;
	v16 =	vmul.f32 v19, v16;
	_ =	sdelay $0x1  }
0x167: {  	v16 =	vadd.f32 v17, v16;
	_ =	sdelay $0x1  }
0x168: {  	s4 =	sshra.s32 s24, $0x2;
	[tilespmem:$0x4AFF] =	vst v16  }
0x169: {  	v16 =	vld [tilespmem:s4+$0x4600]  }
0x16a: {  	v17 =	vld [tilespmem:s4+$0x4400];
	_ =	sdelay $0x1  }
0x16b: {  	v53 =	vld.idx.msk [tilespmem:v0+s17+$0x0], $0xffff;
	_ =	sdelay $0x1  }
0x16c: {  	v54 =	vld.idx.msk [tilespmem:v1+s17+$0x0], $0xffff  }
0x16d: {  	v16 =	vadd.f32 v16, v17  }
0x16e: {  	v17 =	vld.idx.msk [tilespmem:v2+s17+$0x0], $0xffff  }
0x16f: {  	v16 =	vadd.f32 v53, v16  }
0x170: {  	v55 =	vld.idx.msk [tilespmem:v3+s17+$0x0], $0xffff  }
0x171: {  	v16 =	vadd.f32 v54, v16  }
0x172: {  	v56 =	vld.idx.msk [tilespmem:v4+s17+$0x0], $0xffff  }
0x173: {  	v16 =	vadd.f32 v17, v16  }
0x174: {  	v17 =	vld.idx.msk [tilespmem:v5+s17+$0x0], $0xffff  }
0x175: {  	v16 =	vadd.f32 v55, v16  }
0x176: {  	v57 =	vld.idx.msk [tilespmem:v6+s17+$0x0], $0xffff  }
0x177: {  	v16 =	vadd.f32 v56, v16  }
0x178: {  	v58 =	vld.idx.msk [tilespmem:v7+s17+$0x0], $0xffff  }
0x179: {  	v16 =	vadd.f32 v17, v16  }
0x17a: {  	v17 =	vld.idx.msk [tilespmem:v8+s17+$0x0], $0xffff  }
0x17b: {  	v16 =	vadd.f32 v57, v16  }
0x17c: {  	v59 =	vld.idx.msk [tilespmem:v9+s17+$0x0], $0xffff  }
0x17d: {  	v16 =	vadd.f32 v58, v16  }
0x17e: {  	v60 =	vld.idx.msk [tilespmem:v10+s17+$0x0], $0xffff  }
0x17f: {  	v16 =	vadd.f32 v17, v16  }
0x180: {  	v17 =	vld.idx.msk [tilespmem:v11+s17+$0x0], $0xffff  }
0x181: {  	v16 =	vadd.f32 v59, v16  }
0x182: {  	v61 =	vld.idx.msk [tilespmem:v12+s17+$0x0], $0xffff  }
0x183: {  	v16 =	vadd.f32 v60, v16  }
0x184: {  	v62 =	vld.idx.msk [tilespmem:v13+s17+$0x0], $0xffff  }
0x185: {  	v16 =	vadd.f32 v17, v16  }
0x186: {  	v17 =	vld.idx.msk [tilespmem:v14+s17+$0x0], $0xffff  }
0x187: {  	v16 =	vadd.f32 v61, v16  }
0x188: {  	v63 =	vld.idx.msk [tilespmem:v15+s17+$0x0], $0xffff  }
0x189: {  	v16 =	vadd.f32 v62, v16;
	_ =	sdelay $0x1  }
0x18a: {  	v16 =	vadd.f32 v17, v16;
	_ =	sdelay $0x1  }
0x18b: {  	s20 =	sadd.s32 $0x1, s20;
	v16 =	vadd.f32 v63, v16  }
0x18c: {  	p0 =	sne.s32 s20, s10  }
.Ltmp1:
0x18d: {  	[tilespmem:s4+$0x4800] =	vst v16;
	(pc) =	sbr.rel @p0 .LBB2_1-.Ltmp1, $4  }
0x18e: {  	[hbm4b:s9+s3] =	stream.linear.scatter [tilespmem:s18], [sflag:$0x2], $0x200, $0x38;
	[tilespmem:$0x4B10] =	vst v63  }
0x18f: {  	_ =	swait.ge [sflag:s11], $0x200  }
0x190: {  	[sflag:s11] =	ssyncset.done $0x0  }
0x191: {  	[sflag:s11] =	ssyncadd.s32 $0xFFFFFE00  }
0x192: {  	_ =	sfence.sel $0x180000  }
0x193: {  	[bflag:$0x0] =	sbarrier.arrive $0xFFFF  }
0x194: {  	_ =	strace $0x9000004D  }
0x195: {  	s0 =	stileid.u32;
	[bflag:$0x2] =	sbarrier.arrive $0xFFFF  }
0x196: {  	p0 =	sne.s32 s0, $0x0;
	s0 =	rddreg [dreg:$0x6]  }
0x197: {  	s0 =	sadd.s32 @!p0 $0x100000, s0  }
0x198: {  	[sflag:s0] =	ssyncadd.tile.s32 @!p0 $0x1;
	_ =	shalt  }
.Lfunc_end2:
_tile_overlayer_lowered:
.L_overlay_start_2:
0x199: {  	(tag) =	ssettag $0x2  }
0x19a: {  	s0 =	rddreg [dreg:$0x0];
	s2 =	stileid.u32  }
0x19b: {  	s1 =	rddreg [dreg:$0x1];
	p0 =	sne.s32 s2, $0x0  }
0x19c: {  	s3 =	rddreg [dreg:$0x2];
	[bflag:$0x3] =	sbarrier.arrive $0xFFFF;
	s2 =	simm.s32 @!p0 $0x1C02  }
0x19d: {  	[timem:s3], [sflag:s2] =	dma.local @!p0 [hbm:s0], s1  }
0x19e: {  	s0 =	simm.s32 @!p0 $0x2  }
0x19f: {  	_ =	swait.ge @!p0 [sflag:s0], s1  }
0x1a0: {  	s1 =	ssub.s32 @!p0 $0x0, s1;
	[sflag:s0] =	ssyncset.done @!p0 $0x0  }
0x1a1: {  	[sflag:s0] =	ssyncadd.s32 @!p0 s1  }
0x1a2: {  	[bflag:$0x3] =	sbarrier.arrive $0xFFFF  }
0x1a3: {  	_ =	shalt  }

// kernel: sparse-core-data-format-call.1.cloned.1.call-start
scs
called_computation.1_lowered:
.L_overlay_start_0:
0x0: {  	s1 =	sld [smem:$0x3FD9]  }
0x1: {  	s2 =	sld [smem:$0x3FFE];
	_ =	sdelay $0x1  }
0x2: {  	s3 =	srdreg.scid  }
0x3: {  	s0 =	sand.u32 $0x1, s3  }
0x4: {  	s17 =	sshll.u32 s0, $0xA;
	s1 =	sadd.s32 s2, s1  }
0x5: {  	s1 =	sadd.s32 s1, s17  }
0x6: {  	[smem:$0x3FC2] =	sst s1  }
0x7: {  	_ = 	snop  }
0x8: {  	(tm) =	ssettm $0x1  }
0x9: {  	s18 =	sld [smem:$0x3FFB];
	_ =	sdelay $0x3  }
0xa: {  	_ =	strace s18  }
0xb: {  	s1 =	sld [smem:$0x3FFC];
	_ =	sdelay $0x3  }
0xc: {  	_ =	strace s1  }
0xd: {  	s1 =	sld [smem:$0x3FFD];
	_ =	sdelay $0x3  }
0xe: {  	_ =	strace s1  }
0xf: {  	_ =	strace $0x8FFFFFFF  }
0x10: {  	s19 =	sld [smem:$0x3FDB];
	_ =	sdelay $0x1  }
0x11: {  	s20 =	simm.s32 $_scs_section_size  }
0x12: {  	s4 =	simm.s32 $_size__tile_overlayer_lowered;
	s5 =	simm.s32 $_tile_overlayer_lowered  }
0x13: {  	s23 =	simm.s32 $0x1BFF;
	s22 =	sshll.u32 s5, $0x1;
	s1 =	sadd.s32 s20, s19  }
0x14: {  	s6 =	simm.s32 $0x0;
	s21 =	sshll.u32 s4, $0x1;
	s4 =	sadd.s32 s22, s1  }
0x15: {  	[timem:s6], [sflag:s23] =	dma.local [hbm:s4], s21  }
0x16: {  	_ =	swait.ge [sflag:s23], s21  }
0x17: {  	s2 =	ssub.s32 $0x0, s21;
	[sflag:s23] =	ssyncset.done $0x0  }
0x18: {  	[sflag:s23] =	ssyncadd.s32 s2;
	_ =	sdelay $0x1  }
0x19: {  	s24 =	simm.s32 $0x1B8B  }
0x1a: {  	_ =	swait.ge [sflag:s24], $0x1  }
0x1b: {  	[sflag:s24] =	ssyncset.done $0x0  }
0x1c: {  	s26 =	simm.s32 $0x1B8E;
	s25 =	sld [smem:$0x3FFE];
	[sflag:s24] =	ssyncadd.s32 $0xFFFFFFFF  }
0x1d: {  	s27 =	simm.s32 $execute0_lowered;
	[smem:$0x3FD2] =	sst s26  }
0x1e: {  	s4 =	sshll.u32 s27, $0x1;
	_ =	strace $0x80000046;
	[dreg:$0x1] =	wrdreg $0xFFFFFFFF  }
0x1f: {  	s28 =	simm.s32 $_size_execute0_lowered;
	s1 =	sadd.s32 s1, s4;
	[dreg:$0x0] =	wrdreg $0x0  }
0x20: {  	s4 =	sshll.u32 s28, $0x1;
	[dreg:$0x2] =	wrdreg s1  }
0x21: {  	[dreg:$0x3] =	wrdreg s4  }
0x22: {  	[dreg:$0x4] =	wrdreg $0xC0  }
0x23: {  	_ =	task [dreg:s6], $0x5FFFF  }
0x24: {  	[dreg:$0x1] =	wrdreg $0xFFFFFFFF  }
0x25: {  	[dreg:$0x0] =	wrdreg $0x60  }
0x26: {  	[dreg:$0x2] =	wrdreg s25  }
0x27: {  	[dreg:$0x3] =	wrdreg $0xA  }
0x28: {  	_ =	task.clear_ibuf [dreg:s6], $0x4FFFF;
	_ =	strace $0x90000046  }
0x29: {  	s29 =	simm.s32 $0xA;
	_ =	strace $0x80000048  }
0x2a: {  	_ =	swait.ge [sflag:s29], $0x1  }
0x2b: {  	[sflag:s29] =	ssyncadd.s32 $0xFFFFFFFF  }
0x2c: {  	_ =	strace $0x90000048  }
0x2d: {  	_ =	sfence  }
0x2e: {  	s30 =	sld [smem:$0x0];
	_ =	sdelay $0x2  }
0x2f: {  	s31 =	sshll.u32 s3, $0xD;
	s3 =	sshrl.u32 s3, $0x2  }
0x30: {  	s2 =	sand.u32 $0x4000, s31;
	s1 =	sadd.s32 s3, s30  }
0x31: {  	s0 =	sor.u32 s2, s0;
	s1 =	sshll.u32 s1, $0x11  }
0x32: {  	s0 =	sor.u32 s1, s0  }
0x33: {  	s0 =	sadd.s32 $0x8F2B, s0  }
0x34: {  	[sflag:s0] =	ssyncadd.remote.s32 $0x1  }
0x35: {  	_ =	sfence.sel $0xFFFF  }
0x36: {  	[dreg:$0x0] =	wrdreg $0xFFFFFFFF;
	(pc) =	sbr.abs _section_cstart, $3  }
0x37: {  	[dreg:$0x1] =	wrdreg $0xFFFFFFFF  }
0x38: {  	_ =	task.clear_ibuf [dreg:s6], $0x2FFFF;
	_ =	strace $0x9FFFFFFF  }
0x39: {  	(tm) =	ssettm $0x7FFFFFFF  }
tec
execute0_lowered:
.L_overlay_start_1:
0x0: {  	(tag) =	ssettag $0x1  }
0x1: {  	s0 =	srdreg.scid  }
0x2: {  	s5 =	rddreg [dreg:$0x0];
	s1 =	stileid.u32;
	s4 =	simm.s32 $0x1  }
0x3: {  	s6 =	simm.s32 $0x2;
	s8 =	simm.s32 $0x0;
	s2 =	sshll.u32 s0, $0x4  }
0x4: {  	s9 =	simm.s32 $0x0;
	s13 =	simm.s32 $0x0;
	s2 =	sand.u32 $0x10, s2  }
.Ltmp0:
0x5: {  	s10 =	simm.s32 $0x0;
	s3 =	sor.u32 s1, s2;
	(pc) =	sbr.rel .LBB1_1-.Ltmp0, $4  }
0x6: {  	s0 =	rddreg [dreg:$0x1];
	_ =	strace $0x80000047;
	s3 =	sshll.u32 s3, $0x4  }
0x7: {  	s12 =	simm.s32 $0x0;
	[sflag:s4] =	ssyncpa.u1 $0x0;
	s7 =	ssub.s32 $0x3D00, s3  }
0x8: {  	s2 =	sadd.s32 $0xC00, s5;
	[sflag:s6] =	ssyncpa.u1 $0x0;
	s6 =	sshrl.u32 s7, $0x9  }
0x9: {  	s5 =	sadd.s32 $0x1E9200, s5;
	s11 =	smov.u32 s3;
	s7 =	sadd.s32 $0x2, s6  }
.LBB1_7:
0xa: {  	s15 =	sshll.u32 s12, $0xF  }
0xb: {  	s15 =	sand.u32 $0x8000, s15  }
0xc: {  	s16 =	sshll.u32 s10, $0x7;
	s15 =	sshrl.u32 s15, $0x1  }
0xd: {  	s16 =	sadd.s32 s5, s16;
	s15 =	sor.u32 $0x8000, s15  }
0xe: {  	[hbm4b:s16+s8] =	stream.linear.scatter [tilespmem:s15], [sflag:$0x2], s14, $0x38;
	[tilespmem:$0x10000] =	vst v63  }
.LBB1_8:
0xf: {  	p0 =	slt.u32 s12, $0x2  }
0x10: {  	p1 =	sgt.s32 @!p0 s13, $0x3CF9  }
0x11: {  	s14 =	smov.u32 s13;
	s15 =	sshra.s32 @!p0 s13, $0x1F;
	p1 =	por !p1, p0  }
0x12: {  	s13 =	sand.u32 @!p0 s15, s13;
	s14 =	simm.s32 @p1 $0x3CF9  }
0x13: {  	s13 =	ssub.s32 @!p0 s14, s13  }
0x14: {  	s13 =	sadd.s32 @!p0 $0xFFFFC307, s13  }
0x15: {  	s14 =	sshll.u32 @!p0 s13, $0xC  }
0x16: {  	p1 =	sgt.s32 @!p0 s13, $0xF;
	s13 =	ssub.s32 @!p0 $0x10000, s14  }
0x17: {  	s15 =	sadd.s32 $0x200, s11;
	p1 =	por !p1, p0;
	s13 =	sshrl.u32 @!p0 s13, $0x2  }
0x18: {  	s13 =	simm.s32 @!p1 $0x0;
	p1 =	sgt.s32 s15, $0x3D08  }
0x19: {  	s15 =	smov.u32 @p1 s3;
	p1 =	sne.s32 s12, s7  }
.Ltmp1:
0x1a: {  	_ = 	snop;
	(pc) =	sbr.rel @!p1 .LBB1_9-.Ltmp1, $4  }
0x1b: {  	s14 =	simm.s32 @!p0 $0x2  }
0x1c: {  	s9 =	sadd.s32 $0x8000, s9;
	_ =	swait.ge @!p0 [sflag:s14], s13;
	s16 =	ssub.s32 @!p0 $0x0, s13  }
0x1d: {  	s13 =	smov.u32 s10;
	s12 =	sadd.s32 $0x1, s12;
	[sflag:s14] =	ssyncset.done @!p0 $0x0  }
0x1e: {  	s10 =	smov.u32 s11;
	s11 =	smov.u32 s15;
	[sflag:s14] =	ssyncadd.s32 @!p0 s16  }
.LBB1_1:
0x1f: {  	p0 =	sgt.u32 s12, s6  }
0x20: {  	p1 =	sgt.s32 @!p0 s11, $0x3CF9  }
0x21: {  	s14 =	smov.u32 s11;
	s15 =	sshra.s32 @!p0 s11, $0x1F;
	p1 =	por !p1, p0  }
0x22: {  	s15 =	sand.u32 @!p0 s15, s11;
	s14 =	simm.s32 @p1 $0x3CF9  }
0x23: {  	s14 =	ssub.s32 @!p0 s14, s15  }
0x24: {  	s14 =	sadd.s32 @!p0 $0xFFFFC307, s14  }
0x25: {  	s16 =	sshll.u32 @!p0 s11, $0x7;
	s17 =	simm.s32 @!p0 $0x0;
	s15 =	sshll.u32 @!p0 s14, $0xC  }
0x26: {  	p1 =	sgt.s32 @!p0 s14, $0xF;
	s14 =	ssub.s32 @!p0 $0x10000, s15;
	s15 =	sxor.u32 @!p0 $0xFFFFFFFF, s12  }
0x27: {  	p1 =	por !p1, p0;
	s14 =	sshrl.u32 @!p0 s14, $0x2;
	s15 =	sshll.u32 @!p0 s15, $0xE  }
0x28: {  	s16 =	sadd.s32 @!p0 s2, s16;
	s14 =	simm.s32 @!p1 $0x0;
	s15 =	sand.u32 @!p0 $0x4000, s15  }
0x29: {  	[tilespmem:s15], [sflag:$0x1] =	stream.linear.gather @!p0 [hbm4b:s16+s17], s14, $0x38;
	[tilespmem:$0x10000] =	vst v63  }
0x2a: {  	p0 =	seq.s32 s12, $0x0  }
0x2b: {  	p1 =	sge.u32 @!p0 s12, s7  }
0x2c: {  	p0 =	por p0, p1  }
.Ltmp2:
0x2d: {  	_ = 	snop;
	(pc) =	sbr.rel @p0 .LBB1_8-.Ltmp2, $1  }
0x2e: {  	_ =	sdelay $0x3  }
0x2f: {  	p0 =	sgt.s32 s10, $0x3CF9;
	s14 =	smov.u32 s10;
	s15 =	sshra.s32 s10, $0x1F  }
0x30: {  	s14 =	simm.s32 @!p0 $0x3CF9;
	s15 =	sand.u32 s15, s10  }
0x31: {  	s14 =	ssub.s32 s14, s15  }
0x32: {  	s16 =	sadd.s32 $0x10, s10;
	s14 =	sadd.s32 $0xFFFFC307, s14  }
0x33: {  	p1 =	slt.s32 s16, $0x3D09;
	s30 =	sshll.u32 s14, $0xC  }
0x34: {  	s16 =	simm.s32 @!p1 $0x3D09;
	s15 =	ssub.s32 $0x10000, s30  }
0x35: {  	p0 =	sgt.s32 s14, $0xF;
	s14 =	sshrl.u32 s15, $0x2;
	s15 =	ssub.s32 s16, s10  }
0x36: {  	s14 =	simm.s32 @p0 $0x0;
	p0 =	slt.s32 s15, $0x1  }
.Ltmp3:
0x37: {  	_ = 	snop;
	(pc) =	sbr.rel @p0 .LBB1_7-.Ltmp3, $4  }
0x38: {  	_ = 	snop  }
0x39: {  	_ =	swait.ge [sflag:s4], s14  }
0x3a: {  	s31 =	ssub.s32 $0x0, s14;
	[sflag:s4] =	ssyncset.done $0x0  }
0x3b: {  	[sflag:s4] =	ssyncadd.s32 s31  }
0x3c: {  	s16 =	sshrl.u32 s9, $0x1  }
0x3d: {  	s17 =	sand.u32 $0x4000, s16  }
0x3e: {  	s18 =	simm.s32 $0x0;
	s16 =	sor.u32 $0x200, s17;
	s17 =	sor.u32 $0x8080, s17  }
.LBB1_4:
0x3f: {  	v0 =	vld [tilespmem:s16+$0xFFFFFE70]  }
0x40: {  	v1 =	vld [tilespmem:s16+$0x70]  }
0x41: {  	v2 =	vld [tilespmem:s16+$0x0]  }
0x42: {  	v3 =	vld [tilespmem:s16+$0xFFFFFE10]  }
0x43: {  	v4 =	vld [tilespmem:s16+$0x10]  }
0x44: {  	v5 =	vld [tilespmem:s16+$0xFFFFFE20]  }
0x45: {  	v7 =	vld [tilespmem:s16+$0x20]  }
0x46: {  	v11 =	vld [tilespmem:s16+$0x30];
	v6 =	vunpack.i.l.s16.s32 v0;
	v8 =	vunpack.i.u.s16.s32 v0;
	v9 =	vunpack.i.u.s16.s32 v1  }
0x47: {  	v10 =	vunpack.i.l.s16.s32 v1;
	v0 =	vunpack.i.u.s16.s32 v2;
	v1 =	vunpack.i.l.s16.s32 v2;
	v2 =	vld [tilespmem:s16+$0xFFFFFE30]  }
0x48: {  	v8 =	vpack.i.b32.b16 v9, v8;
	v9 =	vunpack.i.u.s16.s32 v3;
	v3 =	vunpack.i.l.s16.s32 v3  }
0x49: {  	v12 =	vld [tilespmem:s16+$0xFFFFFE40];
	v6 =	vpack.i.b32.b16 v10, v6;
	[tilespmem:s17+$0x70] =	vst v8;
	v8 =	vunpack.i.u.s16.s32 v4;
	v4 =	vunpack.i.l.s16.s32 v4  }
0x4a: {  	v13 =	vld [tilespmem:s16+$0x40];
	v10 =	vunpack.i.u.s16.s32 v5;
	v5 =	vunpack.i.l.s16.s32 v5;
	[tilespmem:s17+$0xFFFFFFF0] =	vst v6;
	v3 =	vpack.i.b32.b16 v4, v3  }
0x4b: {  	v6 =	vunpack.i.l.s16.s32 v7;
	v4 =	vld [tilespmem:s16+$0xFFFFFE50];
	[tilespmem:s17+$0xFFFFFF90] =	vst v3;
	v3 =	vpack.i.b32.b16 v8, v9;
	v8 =	vunpack.i.u.s16.s32 v7  }
0x4c: {  	v7 =	vunpack.i.l.s16.s32 v11;
	[tilespmem:s17+$0x10] =	vst v3;
	v3 =	vpack.i.b32.b16 v6, v5;
	v9 =	vunpack.i.u.s16.s32 v2;
	v6 =	vld [tilespmem:s16+$0x50]  }
0x4d: {  	v5 =	vunpack.i.l.s16.s32 v2;
	v2 =	vld [tilespmem:s16+$0xFFFFFE60];
	[tilespmem:s17+$0xFFFFFFA0] =	vst v3;
	v3 =	vpack.i.b32.b16 v8, v10;
	v10 =	vunpack.i.u.s16.s32 v11  }
0x4e: {  	s21 =	simm.s32 $0x0;
	v11 =	vpack.i.b32.b16 v7, v5;
	v7 =	vunpack.i.u.s16.s32 v12;
	v8 =	vunpack.i.l.s16.s32 v12;
	[tilespmem:s17+$0x20] =	vst v3;
	v3 =	vld [tilespmem:s16+$0x60]  }
0x4f: {  	s22 =	sadd.s32 $0x80, s16;
	s20 =	smov.u32 s17;
	s19 =	smov.u32 s17;
	v5 =	vld [tilespmem:s16+$0xFFFFFE00];
	[tilespmem:s17+$0xFFFFFFB0] =	vst v11;
	v10 =	vpack.i.b32.b16 v10, v9;
	v9 =	vunpack.i.u.s16.s32 v13;
	v11 =	vunpack.i.l.s16.s32 v13  }
.LBB1_5:
0x50: {  	v12 =	vld [tilespmem:s22+$0xFFFFFE70];
	[tilespmem:s20+$0x30] =	vst v10;
	v8 =	vpack.i.b32.b16 v11, v8;
	v10 =	vunpack.i.u.s16.s32 v4;
	v4 =	vunpack.i.l.s16.s32 v4  }
0x51: {  	s21 =	sadd.s32 $0x2, s21;
	v7 =	vpack.i.b32.b16 v9, v7;
	v11 =	vld [tilespmem:s22+$0x70];
	[tilespmem:s20+$0xFFFFFFC0] =	vst v8;
	v8 =	vunpack.i.u.s16.s32 v6;
	v6 =	vunpack.i.l.s16.s32 v6  }
0x52: {  	p0 =	slt.u32 s21, $0x6;
	v9 =	vld [tilespmem:s22+$0x0];
	[tilespmem:s20+$0x40] =	vst v7;
	v4 =	vpack.i.b32.b16 v6, v4;
	v6 =	vunpack.i.u.s16.s32 v2;
	v2 =	vunpack.i.l.s16.s32 v2  }
0x53: {  	v7 =	vld [tilespmem:s22+$0xFFFFFE10];
	[tilespmem:s20+$0xFFFFFFD0] =	vst v4;
	v4 =	vpack.i.b32.b16 v8, v10;
	v8 =	vunpack.i.u.s16.s32 v3;
	v3 =	vunpack.i.l.s16.s32 v3  }
0x54: {  	v10 =	vld [tilespmem:s22+$0x10];
	v13 =	vunpack.i.u.s16.s32 v5;
	v5 =	vunpack.i.l.s16.s32 v5;
	[tilespmem:s20+$0x50] =	vst v4;
	v2 =	vpack.i.b32.b16 v3, v2  }
0x55: {  	v3 =	vld [tilespmem:s22+$0xFFFFFE20];
	v4 =	vunpack.i.l.s16.s32 v12;
	v1 =	vpack.i.b32.b16 v1, v5;
	v5 =	vpack.i.b32.b16 v0, v13;
	[tilespmem:s20+$0xFFFFFFE0] =	vst v2  }
0x56: {  	v12 =	vunpack.i.u.s16.s32 v12;
	v2 =	vld [tilespmem:s22+$0x20];
	v13 =	vunpack.i.u.s16.s32 v11;
	v11 =	vunpack.i.l.s16.s32 v11;
	[tilespmem:s20+$0xFFFFFF80] =	vst v1  }
0x57: {  	s20 =	sadd.s32 $0x100, s20;
	v0 =	vunpack.i.u.s16.s32 v9;
	v1 =	vunpack.i.l.s16.s32 v9;
	v9 =	vld [tilespmem:s22+$0xFFFFFE30];
	v12 =	vpack.i.b32.b16 v13, v12;
	[tilespmem:s19+$0x0] =	vst v5  }
0x58: {  	v6 =	vpack.i.b32.b16 v8, v6;
	v5 =	vunpack.i.u.s16.s32 v7;
	v7 =	vunpack.i.l.s16.s32 v7;
	v13 =	vld [tilespmem:s22+$0x30];
	[tilespmem:s20+$0x70] =	vst v12  }
0x59: {  	v4 =	vpack.i.b32.b16 v11, v4;
	v8 =	vunpack.i.u.s16.s32 v10;
	v10 =	vunpack.i.l.s16.s32 v10;
	v12 =	vld [tilespmem:s22+$0xFFFFFE40];
	[tilespmem:s19+$0x60] =	vst v6;
	s19 =	smov.u32 s20  }
0x5a: {  	v6 =	vpack.i.b32.b16 v10, v7;
	v7 =	vunpack.i.u.s16.s32 v3;
	v3 =	vunpack.i.l.s16.s32 v3;
	v11 =	vld [tilespmem:s22+$0x40];
	[tilespmem:s20+$0xFFFFFFF0] =	vst v4  }
.Ltmp4:
0x5b: {  	v5 =	vpack.i.b32.b16 v8, v5;
	[tilespmem:s20+$0xFFFFFF90] =	vst v6;
	v8 =	vunpack.i.u.s16.s32 v2;
	v2 =	vunpack.i.l.s16.s32 v2;
	v4 =	vld [tilespmem:s22+$0xFFFFFE50];
	(pc) =	sbr.rel @p0 .LBB1_5-.Ltmp4, $4  }
0x5c: {  	[tilespmem:s20+$0x10] =	vst v5;
	v2 =	vpack.i.b32.b16 v2, v3;
	v10 =	vunpack.i.u.s16.s32 v9;
	v3 =	vunpack.i.l.s16.s32 v9;
	v6 =	vld [tilespmem:s22+$0x50]  }
0x5d: {  	v5 =	vpack.i.b32.b16 v8, v7;
	[tilespmem:s20+$0xFFFFFFA0] =	vst v2;
	v9 =	vunpack.i.u.s16.s32 v13;
	v7 =	vunpack.i.l.s16.s32 v13;
	v2 =	vld [tilespmem:s22+$0xFFFFFE60]  }
0x5e: {  	[tilespmem:s20+$0x20] =	vst v5;
	v13 =	vpack.i.b32.b16 v7, v3;
	v7 =	vunpack.i.u.s16.s32 v12;
	v8 =	vunpack.i.l.s16.s32 v12;
	v3 =	vld [tilespmem:s22+$0x60]  }
0x5f: {  	v10 =	vpack.i.b32.b16 v9, v10;
	v5 =	vld [tilespmem:s22+$0xFFFFFE00];
	[tilespmem:s20+$0xFFFFFFB0] =	vst v13;
	v9 =	vunpack.i.u.s16.s32 v11;
	v11 =	vunpack.i.l.s16.s32 v11;
	s22 =	sadd.s32 $0x80, s22  }
0x60: {  	[tilespmem:s20+$0x30] =	vst v10;
	v8 =	vpack.i.b32.b16 v11, v8  }
0x61: {  	v51 =	vunpack.i.l.s16.s32 v4;
	v7 =	vpack.i.b32.b16 v9, v7;
	[tilespmem:s20+$0xFFFFFFC0] =	vst v8;
	v52 =	vunpack.i.l.s16.s32 v6  }
0x62: {  	v53 =	vunpack.i.u.s16.s32 v4;
	s18 =	sadd.s32 $0x1, s18;
	v54 =	vunpack.i.u.s16.s32 v6;
	[tilespmem:s20+$0x40] =	vst v7;
	v55 =	vpack.i.b32.b16 v52, v51  }
0x63: {  	p0 =	sne.s32 s18, s15;
	v56 =	vunpack.i.l.s16.s32 v2;
	v4 =	vpack.i.b32.b16 v54, v53;
	[tilespmem:s20+$0xFFFFFFD0] =	vst v55;
	v57 =	vunpack.i.l.s16.s32 v3  }
.Ltmp5:
0x64: {  	[tilespmem:s20+$0x50] =	vst v4;
	v58 =	vunpack.i.l.s16.s32 v5;
	v59 =	vpack.i.b32.b16 v57, v56;
	(pc) =	sbr.rel @p0 .LBB1_4-.Ltmp5, $4  }
.Ltmp6:
0x65: {  	v61 =	vunpack.i.u.s16.s32 v2;
	v62 =	vunpack.i.u.s16.s32 v3;
	v1 =	vpack.i.b32.b16 v1, v58;
	[tilespmem:s20+$0xFFFFFFE0] =	vst v59;
	(pc) =	sbr.rel @!p0 .LBB1_7-.Ltmp6, $4  }
0x66: {  	v60 =	vunpack.i.u.s16.s32 v5;
	v63 =	vpack.i.b32.b16 v62, v61;
	[tilespmem:s20+$0xFFFFFF80] =	vst v1  }
0x67: {  	v0 =	vpack.i.b32.b16 v0, v60;
	[tilespmem:s19+$0x60] =	vst v63  }
0x68: {  	s16 =	sadd.s32 $0x400, s16;
	s17 =	sadd.s32 $0x400, s17;
	[tilespmem:s19+$0x0] =	vst v0  }
0x69: {  	_ = 	snop  }
.LBB1_9:
0x6a: {  	_ =	sfence.sel $0x180000  }
0x6b: {  	s2 =	simm.s32 $0x1;
	[bflag:$0x0] =	sbarrier.arrive $0xFFFF  }
0x6c: {  	s31 =	simm.s32 $0x2;
	[sflag:s2] =	ssyncpa.u1 $0x1  }
0x6d: {  	[sflag:s31] =	ssyncpa.u1 $0x1  }
0x6e: {  	p0 =	sne.s32 s1, $0x0;
	_ =	strace $0x90000047  }
0x6f: {  	s0 =	sadd.s32 @!p0 $0x100000, s0;
	[bflag:$0x2] =	sbarrier.arrive $0xFFFF  }
0x70: {  	[sflag:s0] =	ssyncadd.tile.s32 @!p0 $0x1;
	_ =	shalt  }
.Lfunc_end1:
_tile_overlayer_lowered:
.L_overlay_start_2:
0x71: {  	(tag) =	ssettag $0x2  }
0x72: {  	s0 =	rddreg [dreg:$0x0];
	s2 =	stileid.u32  }
0x73: {  	s1 =	rddreg [dreg:$0x1];
	p0 =	sne.s32 s2, $0x0  }
0x74: {  	s3 =	rddreg [dreg:$0x2];
	[bflag:$0x3] =	sbarrier.arrive $0xFFFF;
	s2 =	simm.s32 @!p0 $0x1C01  }
0x75: {  	[timem:s3], [sflag:s2] =	dma.local @!p0 [hbm:s0], s1  }
0x76: {  	s0 =	simm.s32 @!p0 $0x1  }
0x77: {  	_ =	swait.ge @!p0 [sflag:s0], s1  }
0x78: {  	s1 =	ssub.s32 @!p0 $0x0, s1;
	[sflag:s0] =	ssyncset.done @!p0 $0x0  }
0x79: {  	[sflag:s0] =	ssyncadd.s32 @!p0 s1  }
0x7a: {  	[bflag:$0x3] =	sbarrier.arrive $0xFFFF  }
0x7b: {  	_ =	shalt  }

// kernel: sparse-core-data-format-call.cloned.1.call-start
scs
called_computation_lowered:
.L_overlay_start_0:
0x0: {  	s2 =	sld [smem:$0x3FD9]  }
0x1: {  	s3 =	sld [smem:$0x3FFE];
	_ =	sdelay $0x1  }
0x2: {  	s1 =	srdreg.scid  }
0x3: {  	s0 =	sand.u32 $0x1, s1  }
0x4: {  	s18 =	sshll.u32 s0, $0xA;
	s2 =	sadd.s32 s3, s2  }
0x5: {  	s2 =	sadd.s32 s2, s18  }
0x6: {  	[smem:$0x3FC2] =	sst s2  }
0x7: {  	_ = 	snop  }
0x8: {  	(tm) =	ssettm $0x1  }
0x9: {  	s19 =	sld [smem:$0x3FFB];
	_ =	sdelay $0x3  }
0xa: {  	_ =	strace s19  }
0xb: {  	s2 =	sld [smem:$0x3FFC];
	_ =	sdelay $0x3  }
0xc: {  	_ =	strace s2  }
0xd: {  	s2 =	sld [smem:$0x3FFD];
	_ =	sdelay $0x3  }
0xe: {  	_ =	strace s2  }
0xf: {  	_ =	strace $0x8FFFFFFF  }
0x10: {  	s20 =	sld [smem:$0x3FDB];
	_ =	sdelay $0x1  }
0x11: {  	s21 =	simm.s32 $_scs_section_size  }
0x12: {  	s4 =	simm.s32 $_size__tile_overlayer_lowered;
	s5 =	simm.s32 $_tile_overlayer_lowered  }
0x13: {  	s6 =	simm.s32 $0x1BFF;
	s22 =	sshll.u32 s5, $0x1;
	s3 =	sadd.s32 s21, s20  }
0x14: {  	s23 =	simm.s32 $0x0;
	s4 =	sshll.u32 s4, $0x1;
	s5 =	sadd.s32 s22, s3  }
0x15: {  	[timem:s23], [sflag:s6] =	dma.local [hbm:s5], s4  }
0x16: {  	_ =	swait.ge [sflag:s6], s4  }
0x17: {  	s4 =	ssub.s32 $0x0, s4;
	[sflag:s6] =	ssyncset.done $0x0  }
0x18: {  	[sflag:s6] =	ssyncadd.s32 s4;
	_ =	sdelay $0x1  }
0x19: {  	s24 =	simm.s32 $0x1B8B  }
0x1a: {  	_ =	swait.ge [sflag:s24], $0x1  }
0x1b: {  	[sflag:s24] =	ssyncset.done $0x0  }
0x1c: {  	[sflag:s24] =	ssyncadd.s32 $0xFFFFFFFF  }
0x1d: {  	s4 =	sld [smem:$0x0]  }
0x1e: {  	s5 =	sand.u32 $0xFFFFFFFE, s1  }
0x1f: {  	p0 =	sne.s32 s1, s5  }
0x20: {  	s5 =	sshll.u32 @p0 s5, $0xE  }
0x21: {  	s5 =	sadd.s32 @p0 $0x11B8D, s5;
	s6 =	sshll.u32 @p0 s4, $0x11  }
0x22: {  	s5 =	sor.u32 @p0 s6, s5  }
0x23: {  	[sflag:s5] =	ssyncadd.remote.s32 @p0 $0x1;
	_ =	sdelay $0x1  }
0x24: {  	s5 =	simm.s32 @p0 $0x1B8D  }
0x25: {  	_ =	swait.eq @p0 [sflag:s5], $0x1  }
0x26: {  	[sflag:s5] =	ssyncadd.s32 @p0 $0xFFFFFFFF  }
0x27: {  	s6 =	sshll.u32 @!p0 s1, $0xE  }
0x28: {  	s6 =	sor.u32 @!p0 $0x4000, s6;
	s5 =	simm.s32 @!p0 $0x1B8D  }
0x29: {  	s4 =	sshll.u32 @!p0 s4, $0x11;
	s6 =	sadd.s32 @!p0 $0x11B8D, s6;
	_ =	swait.eq @!p0 [sflag:s5], $0x1  }
0x2a: {  	s4 =	sor.u32 @!p0 s4, s6;
	[sflag:s5] =	ssyncadd.s32 @!p0 $0xFFFFFFFF  }
0x2b: {  	s26 =	simm.s32 $0x1B8E;
	s25 =	sld [smem:$0x3FFE];
	[sflag:s4] =	ssyncadd.remote.s32 @!p0 $0x1  }
0x2c: {  	s27 =	simm.s32 $execute0_lowered;
	[smem:$0x3FD2] =	sst s26  }
0x2d: {  	s5 =	sshll.u32 s27, $0x1;
	_ =	strace $0x80000049;
	[dreg:$0x1] =	wrdreg $0xFFFFFFFF  }
0x2e: {  	s28 =	simm.s32 $_size_execute0_lowered;
	s3 =	sadd.s32 s3, s5;
	[dreg:$0x0] =	wrdreg $0x0  }
0x2f: {  	s5 =	sshll.u32 s28, $0x1;
	[dreg:$0x2] =	wrdreg s3  }
0x30: {  	[dreg:$0x3] =	wrdreg s5  }
0x31: {  	[dreg:$0x4] =	wrdreg $0xC0  }
0x32: {  	_ =	task [dreg:s23], $0x5FFFF  }
0x33: {  	[dreg:$0x1] =	wrdreg $0xFFFFFFFF  }
0x34: {  	[dreg:$0x0] =	wrdreg $0x60  }
0x35: {  	[dreg:$0x2] =	wrdreg s25  }
0x36: {  	[dreg:$0x3] =	wrdreg $0x9  }
0x37: {  	_ =	task.clear_ibuf [dreg:s23], $0x4FFFF;
	_ =	strace $0x90000049  }
0x38: {  	s29 =	simm.s32 $0x9;
	_ =	strace $0x8000004B  }
0x39: {  	_ =	swait.ge [sflag:s29], $0x1  }
0x3a: {  	[sflag:s29] =	ssyncadd.s32 $0xFFFFFFFF  }
0x3b: {  	_ =	strace $0x9000004B  }
0x3c: {  	_ =	sfence  }
0x3d: {  	s30 =	sld [smem:$0x0];
	_ =	sdelay $0x2  }
0x3e: {  	s31 =	sshll.u32 s1, $0xD;
	s1 =	sshrl.u32 s1, $0x2  }
0x3f: {  	s4 =	sand.u32 $0x4000, s31;
	s1 =	sadd.s32 s1, s30  }
0x40: {  	s0 =	sor.u32 s4, s0;
	s1 =	sshll.u32 s1, $0x11  }
0x41: {  	s0 =	sor.u32 s1, s0  }
0x42: {  	s0 =	sadd.s32 $0x8F2B, s0  }
0x43: {  	[sflag:s0] =	ssyncadd.remote.s32 $0x1  }
0x44: {  	_ =	sfence.sel $0xFFFF  }
0x45: {  	[dreg:$0x0] =	wrdreg $0xFFFFFFFF;
	(pc) =	sbr.abs _section_cstart, $3  }
0x46: {  	[dreg:$0x1] =	wrdreg $0xFFFFFFFF  }
0x47: {  	_ =	task.clear_ibuf [dreg:s23], $0x2FFFF;
	_ =	strace $0x9FFFFFFF  }
0x48: {  	(tm) =	ssettm $0x7FFFFFFF  }
0x49: {  	_ =	shalt  }
tec
execute0_lowered:
.L_overlay_start_1:
0x0: {  	(tag) =	ssettag $0x1  }
0x1: {  	s0 =	srdreg.scid  }
0x2: {  	s5 =	rddreg [dreg:$0x0];
	s1 =	stileid.u32;
	s4 =	simm.s32 $0x1  }
0x3: {  	s6 =	simm.s32 $0x2;
	s8 =	simm.s32 $0x0;
	s2 =	sshll.u32 s0, $0x4  }
0x4: {  	s9 =	simm.s32 $0x0;
	s13 =	simm.s32 $0x0;
	s2 =	sand.u32 $0x10, s2  }
.Ltmp0:
0x5: {  	s10 =	simm.s32 $0x0;
	s3 =	sor.u32 s1, s2;
	(pc) =	sbr.rel .LBB1_1-.Ltmp0, $4  }
0x6: {  	s0 =	rddreg [dreg:$0x1];
	_ =	strace $0x8000004A;
	s3 =	sshll.u32 s3, $0x4  }
0x7: {  	s12 =	simm.s32 $0x0;
	[sflag:s4] =	ssyncpa.u1 $0x0;
	s7 =	ssub.s32 $0x3D00, s3  }
0x8: {  	s2 =	sadd.s32 $0x3D1800, s5;
	[sflag:s6] =	ssyncpa.u1 $0x0;
	s6 =	sshrl.u32 s7, $0x9  }
0x9: {  	s5 =	sadd.s32 $0x5B9E00, s5;
	s11 =	smov.u32 s3;
	s7 =	sadd.s32 $0x2, s6  }
.LBB1_7:
0xa: {  	s15 =	sshll.u32 s12, $0xF  }
0xb: {  	s15 =	sand.u32 $0x8000, s15  }
0xc: {  	s16 =	sshll.u32 s10, $0x7;
	s15 =	sshrl.u32 s15, $0x1  }
0xd: {  	s16 =	sadd.s32 s5, s16;
	s15 =	sor.u32 $0x8000, s15  }
0xe: {  	[hbm4b:s16+s8] =	stream.linear.scatter [tilespmem:s15], [sflag:$0x2], s14, $0x38;
	[tilespmem:$0x10000] =	vst v63  }
.LBB1_8:
0xf: {  	p0 =	slt.u32 s12, $0x2  }
0x10: {  	p1 =	sgt.s32 @!p0 s13, $0x3CF9  }
0x11: {  	s14 =	smov.u32 s13;
	s15 =	sshra.s32 @!p0 s13, $0x1F;
	p1 =	por !p1, p0  }
0x12: {  	s13 =	sand.u32 @!p0 s15, s13;
	s14 =	simm.s32 @p1 $0x3CF9  }
0x13: {  	s13 =	ssub.s32 @!p0 s14, s13  }
0x14: {  	s13 =	sadd.s32 @!p0 $0xFFFFC307, s13  }
0x15: {  	s14 =	sshll.u32 @!p0 s13, $0xC  }
0x16: {  	p1 =	sgt.s32 @!p0 s13, $0xF;
	s13 =	ssub.s32 @!p0 $0x10000, s14  }
0x17: {  	s15 =	sadd.s32 $0x200, s11;
	p1 =	por !p1, p0;
	s13 =	sshrl.u32 @!p0 s13, $0x2  }
0x18: {  	s13 =	simm.s32 @!p1 $0x0;
	p1 =	sgt.s32 s15, $0x3D08  }
0x19: {  	s15 =	smov.u32 @p1 s3;
	p1 =	sne.s32 s12, s7  }
.Ltmp1:
0x1a: {  	_ = 	snop;
	(pc) =	sbr.rel @!p1 .LBB1_9-.Ltmp1, $4  }
0x1b: {  	s14 =	simm.s32 @!p0 $0x2  }
0x1c: {  	s9 =	sadd.s32 $0x8000, s9;
	_ =	swait.ge @!p0 [sflag:s14], s13;
	s16 =	ssub.s32 @!p0 $0x0, s13  }
0x1d: {  	s13 =	smov.u32 s10;
	s12 =	sadd.s32 $0x1, s12;
	[sflag:s14] =	ssyncset.done @!p0 $0x0  }
0x1e: {  	s10 =	smov.u32 s11;
	s11 =	smov.u32 s15;
	[sflag:s14] =	ssyncadd.s32 @!p0 s16  }
.LBB1_1:
0x1f: {  	p0 =	sgt.u32 s12, s6  }
0x20: {  	p1 =	sgt.s32 @!p0 s11, $0x3CF9  }
0x21: {  	s14 =	smov.u32 s11;
	s15 =	sshra.s32 @!p0 s11, $0x1F;
	p1 =	por !p1, p0  }
0x22: {  	s15 =	sand.u32 @!p0 s15, s11;
	s14 =	simm.s32 @p1 $0x3CF9  }
0x23: {  	s14 =	ssub.s32 @!p0 s14, s15  }
0x24: {  	s14 =	sadd.s32 @!p0 $0xFFFFC307, s14  }
0x25: {  	s16 =	sshll.u32 @!p0 s11, $0x7;
	s17 =	simm.s32 @!p0 $0x0;
	s15 =	sshll.u32 @!p0 s14, $0xC  }
0x26: {  	p1 =	sgt.s32 @!p0 s14, $0xF;
	s14 =	ssub.s32 @!p0 $0x10000, s15;
	s15 =	sxor.u32 @!p0 $0xFFFFFFFF, s12  }
0x27: {  	p1 =	por !p1, p0;
	s14 =	sshrl.u32 @!p0 s14, $0x2;
	s15 =	sshll.u32 @!p0 s15, $0xE  }
0x28: {  	s16 =	sadd.s32 @!p0 s2, s16;
	s14 =	simm.s32 @!p1 $0x0;
	s15 =	sand.u32 @!p0 $0x4000, s15  }
0x29: {  	[tilespmem:s15], [sflag:$0x1] =	stream.linear.gather @!p0 [hbm4b:s16+s17], s14, $0x38;
	[tilespmem:$0x10000] =	vst v63  }
0x2a: {  	p0 =	seq.s32 s12, $0x0  }
0x2b: {  	p1 =	sge.u32 @!p0 s12, s7  }
0x2c: {  	p0 =	por p0, p1  }
.Ltmp2:
0x2d: {  	_ = 	snop;
	(pc) =	sbr.rel @p0 .LBB1_8-.Ltmp2, $1  }
0x2e: {  	_ =	sdelay $0x3  }
0x2f: {  	p0 =	sgt.s32 s10, $0x3CF9;
	s14 =	smov.u32 s10;
	s15 =	sshra.s32 s10, $0x1F  }
0x30: {  	s14 =	simm.s32 @!p0 $0x3CF9;
	s15 =	sand.u32 s15, s10  }
0x31: {  	s14 =	ssub.s32 s14, s15  }
0x32: {  	s16 =	sadd.s32 $0x10, s10;
	s14 =	sadd.s32 $0xFFFFC307, s14  }
0x33: {  	p1 =	slt.s32 s16, $0x3D09;
	s30 =	sshll.u32 s14, $0xC  }
0x34: {  	s16 =	simm.s32 @!p1 $0x3D09;
	s15 =	ssub.s32 $0x10000, s30  }
0x35: {  	p0 =	sgt.s32 s14, $0xF;
	s14 =	sshrl.u32 s15, $0x2;
	s15 =	ssub.s32 s16, s10  }
0x36: {  	s14 =	simm.s32 @p0 $0x0;
	p0 =	slt.s32 s15, $0x1  }
.Ltmp3:
0x37: {  	_ = 	snop;
	(pc) =	sbr.rel @p0 .LBB1_7-.Ltmp3, $4  }
0x38: {  	_ = 	snop  }
0x39: {  	_ =	swait.ge [sflag:s4], s14  }
0x3a: {  	s31 =	ssub.s32 $0x0, s14;
	[sflag:s4] =	ssyncset.done $0x0  }
0x3b: {  	[sflag:s4] =	ssyncadd.s32 s31  }
0x3c: {  	s16 =	sshrl.u32 s9, $0x1  }
0x3d: {  	s17 =	sand.u32 $0x4000, s16  }
0x3e: {  	s18 =	simm.s32 $0x0;
	s16 =	sor.u32 $0x200, s17;
	s17 =	sor.u32 $0x8080, s17  }
.LBB1_4:
0x3f: {  	v0 =	vld [tilespmem:s16+$0xFFFFFE70]  }
0x40: {  	v1 =	vld [tilespmem:s16+$0x70]  }
0x41: {  	v2 =	vld [tilespmem:s16+$0x0]  }
0x42: {  	v3 =	vld [tilespmem:s16+$0xFFFFFE10]  }
0x43: {  	v4 =	vld [tilespmem:s16+$0x10]  }
0x44: {  	v5 =	vld [tilespmem:s16+$0xFFFFFE20]  }
0x45: {  	v7 =	vld [tilespmem:s16+$0x20]  }
0x46: {  	v11 =	vld [tilespmem:s16+$0x30];
	v6 =	vunpack.i.l.s16.s32 v0;
	v8 =	vunpack.i.u.s16.s32 v0;
	v9 =	vunpack.i.u.s16.s32 v1  }
0x47: {  	v10 =	vunpack.i.l.s16.s32 v1;
	v0 =	vunpack.i.u.s16.s32 v2;
	v1 =	vunpack.i.l.s16.s32 v2;
	v2 =	vld [tilespmem:s16+$0xFFFFFE30]  }
0x48: {  	v8 =	vpack.i.b32.b16 v9, v8;
	v9 =	vunpack.i.u.s16.s32 v3;
	v3 =	vunpack.i.l.s16.s32 v3  }
0x49: {  	v12 =	vld [tilespmem:s16+$0xFFFFFE40];
	v6 =	vpack.i.b32.b16 v10, v6;
	[tilespmem:s17+$0x70] =	vst v8;
	v8 =	vunpack.i.u.s16.s32 v4;
	v4 =	vunpack.i.l.s16.s32 v4  }
0x4a: {  	v13 =	vld [tilespmem:s16+$0x40];
	v10 =	vunpack.i.u.s16.s32 v5;
	v5 =	vunpack.i.l.s16.s32 v5;
	[tilespmem:s17+$0xFFFFFFF0] =	vst v6;
	v3 =	vpack.i.b32.b16 v4, v3  }
0x4b: {  	v6 =	vunpack.i.l.s16.s32 v7;
	v4 =	vld [tilespmem:s16+$0xFFFFFE50];
	[tilespmem:s17+$0xFFFFFF90] =	vst v3;
	v3 =	vpack.i.b32.b16 v8, v9;
	v8 =	vunpack.i.u.s16.s32 v7  }
0x4c: {  	v7 =	vunpack.i.l.s16.s32 v11;
	[tilespmem:s17+$0x10] =	vst v3;
	v3 =	vpack.i.b32.b16 v6, v5;
	v9 =	vunpack.i.u.s16.s32 v2;
	v6 =	vld [tilespmem:s16+$0x50]  }
0x4d: {  	v5 =	vunpack.i.l.s16.s32 v2;
	v2 =	vld [tilespmem:s16+$0xFFFFFE60];
	[tilespmem:s17+$0xFFFFFFA0] =	vst v3;
	v3 =	vpack.i.b32.b16 v8, v10;
	v10 =	vunpack.i.u.s16.s32 v11  }
0x4e: {  	s21 =	simm.s32 $0x0;
	v11 =	vpack.i.b32.b16 v7, v5;
	v7 =	vunpack.i.u.s16.s32 v12;
	v8 =	vunpack.i.l.s16.s32 v12;
	[tilespmem:s17+$0x20] =	vst v3;
	v3 =	vld [tilespmem:s16+$0x60]  }
0x4f: {  	s22 =	sadd.s32 $0x80, s16;
	s20 =	smov.u32 s17;
	s19 =	smov.u32 s17;
	v5 =	vld [tilespmem:s16+$0xFFFFFE00];
	[tilespmem:s17+$0xFFFFFFB0] =	vst v11;
	v10 =	vpack.i.b32.b16 v10, v9;
	v9 =	vunpack.i.u.s16.s32 v13;
	v11 =	vunpack.i.l.s16.s32 v13  }
.LBB1_5:
0x50: {  	v12 =	vld [tilespmem:s22+$0xFFFFFE70];
	[tilespmem:s20+$0x30] =	vst v10;
	v8 =	vpack.i.b32.b16 v11, v8;
	v10 =	vunpack.i.u.s16.s32 v4;
	v4 =	vunpack.i.l.s16.s32 v4  }
0x51: {  	s21 =	sadd.s32 $0x2, s21;
	v7 =	vpack.i.b32.b16 v9, v7;
	v11 =	vld [tilespmem:s22+$0x70];
	[tilespmem:s20+$0xFFFFFFC0] =	vst v8;
	v8 =	vunpack.i.u.s16.s32 v6;
	v6 =	vunpack.i.l.s16.s32 v6  }
0x52: {  	p0 =	slt.u32 s21, $0x6;
	v9 =	vld [tilespmem:s22+$0x0];
	[tilespmem:s20+$0x40] =	vst v7;
	v4 =	vpack.i.b32.b16 v6, v4;
	v6 =	vunpack.i.u.s16.s32 v2;
	v2 =	vunpack.i.l.s16.s32 v2  }
0x53: {  	v7 =	vld [tilespmem:s22+$0xFFFFFE10];
	[tilespmem:s20+$0xFFFFFFD0] =	vst v4;
	v4 =	vpack.i.b32.b16 v8, v10;
	v8 =	vunpack.i.u.s16.s32 v3;
	v3 =	vunpack.i.l.s16.s32 v3  }
0x54: {  	v10 =	vld [tilespmem:s22+$0x10];
	v13 =	vunpack.i.u.s16.s32 v5;
	v5 =	vunpack.i.l.s16.s32 v5;
	[tilespmem:s20+$0x50] =	vst v4;
	v2 =	vpack.i.b32.b16 v3, v2  }
0x55: {  	v3 =	vld [tilespmem:s22+$0xFFFFFE20];
	v4 =	vunpack.i.l.s16.s32 v12;
	v1 =	vpack.i.b32.b16 v1, v5;
	v5 =	vpack.i.b32.b16 v0, v13;
	[tilespmem:s20+$0xFFFFFFE0] =	vst v2  }
0x56: {  	v12 =	vunpack.i.u.s16.s32 v12;
	v2 =	vld [tilespmem:s22+$0x20];
	v13 =	vunpack.i.u.s16.s32 v11;
	v11 =	vunpack.i.l.s16.s32 v11;
	[tilespmem:s20+$0xFFFFFF80] =	vst v1  }
0x57: {  	s20 =	sadd.s32 $0x100, s20;
	v0 =	vunpack.i.u.s16.s32 v9;
	v1 =	vunpack.i.l.s16.s32 v9;
	v9 =	vld [tilespmem:s22+$0xFFFFFE30];
	v12 =	vpack.i.b32.b16 v13, v12;
	[tilespmem:s19+$0x0] =	vst v5  }
0x58: {  	v6 =	vpack.i.b32.b16 v8, v6;
	v5 =	vunpack.i.u.s16.s32 v7;
	v7 =	vunpack.i.l.s16.s32 v7;
	v13 =	vld [tilespmem:s22+$0x30];
	[tilespmem:s20+$0x70] =	vst v12  }
0x59: {  	v4 =	vpack.i.b32.b16 v11, v4;
	v8 =	vunpack.i.u.s16.s32 v10;
	v10 =	vunpack.i.l.s16.s32 v10;
	v12 =	vld [tilespmem:s22+$0xFFFFFE40];
	[tilespmem:s19+$0x60] =	vst v6;
	s19 =	smov.u32 s20  }
0x5a: {  	v6 =	vpack.i.b32.b16 v10, v7;
	v7 =	vunpack.i.u.s16.s32 v3;
	v3 =	vunpack.i.l.s16.s32 v3;
	v11 =	vld [tilespmem:s22+$0x40];
	[tilespmem:s20+$0xFFFFFFF0] =	vst v4  }
.Ltmp4:
0x5b: {  	v5 =	vpack.i.b32.b16 v8, v5;
	[tilespmem:s20+$0xFFFFFF90] =	vst v6;
	v8 =	vunpack.i.u.s16.s32 v2;
	v2 =	vunpack.i.l.s16.s32 v2;
	v4 =	vld [tilespmem:s22+$0xFFFFFE50];
	(pc) =	sbr.rel @p0 .LBB1_5-.Ltmp4, $4  }
0x5c: {  	[tilespmem:s20+$0x10] =	vst v5;
	v2 =	vpack.i.b32.b16 v2, v3;
	v10 =	vunpack.i.u.s16.s32 v9;
	v3 =	vunpack.i.l.s16.s32 v9;
	v6 =	vld [tilespmem:s22+$0x50]  }
0x5d: {  	v5 =	vpack.i.b32.b16 v8, v7;
	[tilespmem:s20+$0xFFFFFFA0] =	vst v2;
	v9 =	vunpack.i.u.s16.s32 v13;
	v7 =	vunpack.i.l.s16.s32 v13;
	v2 =	vld [tilespmem:s22+$0xFFFFFE60]  }
0x5e: {  	[tilespmem:s20+$0x20] =	vst v5;
	v13 =	vpack.i.b32.b16 v7, v3;
	v7 =	vunpack.i.u.s16.s32 v12;
	v8 =	vunpack.i.l.s16.s32 v12;
	v3 =	vld [tilespmem:s22+$0x60]  }
0x5f: {  	v10 =	vpack.i.b32.b16 v9, v10;
	v5 =	vld [tilespmem:s22+$0xFFFFFE00];
	[tilespmem:s20+$0xFFFFFFB0] =	vst v13;
	v9 =	vunpack.i.u.s16.s32 v11;
	v11 =	vunpack.i.l.s16.s32 v11;
	s22 =	sadd.s32 $0x80, s22  }
0x60: {  	[tilespmem:s20+$0x30] =	vst v10;
	v8 =	vpack.i.b32.b16 v11, v8  }
0x61: {  	v51 =	vunpack.i.l.s16.s32 v4;
	v7 =	vpack.i.b32.b16 v9, v7;
	[tilespmem:s20+$0xFFFFFFC0] =	vst v8;
	v52 =	vunpack.i.l.s16.s32 v6  }
0x62: {  	v53 =	vunpack.i.u.s16.s32 v4;
	s18 =	sadd.s32 $0x1, s18;
	v54 =	vunpack.i.u.s16.s32 v6;
	[tilespmem:s20+$0x40] =	vst v7;
	v55 =	vpack.i.b32.b16 v52, v51  }
0x63: {  	p0 =	sne.s32 s18, s15;
	v56 =	vunpack.i.l.s16.s32 v2;
	v4 =	vpack.i.b32.b16 v54, v53;
	[tilespmem:s20+$0xFFFFFFD0] =	vst v55;
	v57 =	vunpack.i.l.s16.s32 v3  }
.Ltmp5:
0x64: {  	[tilespmem:s20+$0x50] =	vst v4;
	v58 =	vunpack.i.l.s16.s32 v5;
	v59 =	vpack.i.b32.b16 v57, v56;
	(pc) =	sbr.rel @p0 .LBB1_4-.Ltmp5, $4  }
.Ltmp6:
0x65: {  	v61 =	vunpack.i.u.s16.s32 v2;
	v62 =	vunpack.i.u.s16.s32 v3;
	v1 =	vpack.i.b32.b16 v1, v58;
	[tilespmem:s20+$0xFFFFFFE0] =	vst v59;
	(pc) =	sbr.rel @!p0 .LBB1_7-.Ltmp6, $4  }
0x66: {  	v60 =	vunpack.i.u.s16.s32 v5;
	v63 =	vpack.i.b32.b16 v62, v61;
	[tilespmem:s20+$0xFFFFFF80] =	vst v1  }
0x67: {  	v0 =	vpack.i.b32.b16 v0, v60;
	[tilespmem:s19+$0x60] =	vst v63  }
0x68: {  	s16 =	sadd.s32 $0x400, s16;
	s17 =	sadd.s32 $0x400, s17;
	[tilespmem:s19+$0x0] =	vst v0  }
0x69: {  	_ = 	snop  }
.LBB1_9:
0x6a: {  	_ =	sfence.sel $0x180000  }
0x6b: {  	s2 =	simm.s32 $0x1;
	[bflag:$0x0] =	sbarrier.arrive $0xFFFF  }
0x6c: {  	s31 =	simm.s32 $0x2;
	[sflag:s2] =	ssyncpa.u1 $0x1  }
0x6d: {  	[sflag:s31] =	ssyncpa.u1 $0x1  }
0x6e: {  	p0 =	sne.s32 s1, $0x0;
	_ =	strace $0x9000004A  }
0x6f: {  	s0 =	sadd.s32 @!p0 $0x100000, s0;
	[bflag:$0x2] =	sbarrier.arrive $0xFFFF  }
0x70: {  	[sflag:s0] =	ssyncadd.tile.s32 @!p0 $0x1;
	_ =	shalt  }
.Lfunc_end1:
_tile_overlayer_lowered:
.L_overlay_start_2:
0x71: {  	(tag) =	ssettag $0x2  }
0x72: {  	s0 =	rddreg [dreg:$0x0];
	s2 =	stileid.u32  }
0x73: {  	s1 =	rddreg [dreg:$0x1];
	p0 =	sne.s32 s2, $0x0  }
0x74: {  	s3 =	rddreg [dreg:$0x2];
	[bflag:$0x3] =	sbarrier.arrive $0xFFFF;
	s2 =	simm.s32 @!p0 $0x1C01  }
0x75: {  	[timem:s3], [sflag:s2] =	dma.local @!p0 [hbm:s0], s1  }
0x76: {  	s0 =	simm.s32 @!p0 $0x1  }
0x77: {  	_ =	swait.ge @!p0 [sflag:s0], s1  }
0x78: {  	s1 =	ssub.s32 @!p0 $0x0, s1;
	[sflag:s0] =	ssyncset.done @!p0 $0x0  }
0x79: {  	[sflag:s0] =	ssyncadd.s32 @!p0 s1  }
0x7a: {  	[bflag:$0x3] =	sbarrier.arrive $0xFFFF  }
0x7b: {  	_ =	shalt  }

</sc_bundles>
